<compile_context>
chip_gen: v7x
topology: tpu7x:2x2x1
jax: 0.10.2.dev20260603
libtpu: 0.0.44.dev20260713+nightly
codegen_flags: <defaults>
</compile_context>

<pallas_src>
import functools

import jax
import jax.numpy as jnp
from jax import lax
from jax.experimental import pallas as pl
from jax.experimental.pallas import tpu as pltpu
from jax.experimental.pallas import tpu_sc as plsc

B, T, L, D = 16, 32, 40, 512
V = 49408
H = 8
DH = D // H
BT = B * T
ROWS = BT * L

NC, NS = 2, 16
NW = NC * NS
CH = 80


def _sc_gather(table, flat_ids, nrows):
    rpw = nrows // NW
    nch = rpw // CH
    mesh = plsc.VectorSubcoreMesh(core_axis_name="c", subcore_axis_name="s")

    @functools.partial(
        pl.kernel,
        out_type=jax.ShapeDtypeStruct((nrows, D), jnp.float32),
        mesh=mesh,
        scratch_types=[
            pltpu.VMEM((rpw,), jnp.int32),
            pltpu.VMEM((CH, D), jnp.float32),
            pltpu.VMEM((CH, D), jnp.float32),
            pltpu.VMEM((CH, D), jnp.float32),
            pltpu.SemaphoreType.DMA,
            pltpu.SemaphoreType.DMA,
            pltpu.SemaphoreType.DMA,
            pltpu.SemaphoreType.DMA,
            pltpu.SemaphoreType.DMA,
            pltpu.SemaphoreType.DMA,
        ],
    )
    def gather_kernel(table_hbm, idx_hbm, out_hbm, idx_v,
                      r0, r1, r2, sg0, sg1, sg2, so0, so1, so2):
        wid = lax.axis_index("s") * NC + lax.axis_index("c")
        base = wid * rpw
        pltpu.sync_copy(idx_hbm.at[pl.ds(base, rpw)], idx_v)
        bufs = (r0, r1, r2)
        sg = (sg0, sg1, sg2)
        so = (so0, so1, so2)
        g = [None, None, None]
        out_cp = [None, None, None]
        for c in range(2):
            g[c] = pltpu.async_copy(
                table_hbm.at[idx_v.at[pl.ds(c * CH, CH)]], bufs[c], sg[c])
        for c in range(nch):
            b = c % 3
            g[b].wait()
            out_cp[b] = pltpu.async_copy(
                bufs[b], out_hbm.at[pl.ds(base + c * CH, CH)], so[b])
            nxt = c + 2
            if nxt < nch:
                bn = nxt % 3
                if out_cp[bn] is not None:
                    out_cp[bn].wait()
                    out_cp[bn] = None
                g[bn] = pltpu.async_copy(
                    table_hbm.at[idx_v.at[pl.ds(nxt * CH, CH)]], bufs[bn], sg[bn])
        for b in range(3):
            if out_cp[b] is not None:
                out_cp[b].wait()

    return gather_kernel(table, flat_ids)


S = 32
SL = S * L


def _ln(x, s, b):
    m = jnp.mean(x, axis=-1, keepdims=True)
    v = jnp.mean((x - m) ** 2, axis=-1, keepdims=True)
    return (x - m) * lax.rsqrt(v + 1e-5) * s + b


def _encoder_body(x_ref, pos_ref, ln1s, ln1b, wqkv_f, bqkv_, wo_f, bo_,
                  ln2s, ln2b, w1_f, b1_, w2_f, b2_, lnfs, lnfb, wp_f, bp_,
                  out_ref, wqkv, wo, w1, w2, wp):
    bf = jnp.bfloat16

    @pl.when(pl.program_id(0) == 0)
    def _cast_weights():
        wqkv[...] = wqkv_f[...].astype(bf)
        wo[...] = wo_f[...].astype(bf)
        w1[...] = w1_f[...].astype(bf)
        w2[...] = w2_f[...].astype(bf)
        wp[...] = wp_f[...].astype(bf)

    x = x_ref[...] + pos_ref[...]
    h = _ln(x, ln1s[...], ln1b[...]).astype(bf)
    qkv = jnp.dot(h, wqkv[...], preferred_element_type=jnp.float32) + bqkv_[...]
    q = qkv[:, :D]
    k = qkv[:, D:2 * D].astype(bf)
    v = qkv[:, 2 * D:].astype(bf)
    outs = []
    for hd in range(H):
        qh = q[:, hd * DH:(hd + 1) * DH].astype(bf).reshape(S, L, DH)
        kh = k[:, hd * DH:(hd + 1) * DH].reshape(S, L, DH)
        vh = v[:, hd * DH:(hd + 1) * DH].reshape(S, L, DH)
        sc = lax.dot_general(qh, kh, (((2,), (2,)), ((0,), (0,))),
                             preferred_element_type=jnp.float32)
        p = jnp.exp(sc)
        r = 1.0 / jnp.sum(p, axis=-1, keepdims=True)
        ov = lax.dot_general(p.astype(bf), vh, (((2,), (1,)), ((0,), (0,))),
                             preferred_element_type=jnp.float32)
        outs.append((ov * r).reshape(SL, DH))
    o = jnp.concatenate(outs, axis=-1).astype(bf)
    xb = x + jnp.dot(o, wo[...], preferred_element_type=jnp.float32) + bo_[...]
    h2 = _ln(xb, ln2s[...], ln2b[...]).astype(bf)
    g = jnp.dot(h2, w1[...], preferred_element_type=jnp.float32) + b1_[...]
    c1 = 0.7978845608028654
    c2 = 0.7978845608028654 * 0.044715
    hg = 0.5 * g
    t = jnp.tanh(g * (c1 + c2 * (g * g)))
    ff = (hg + hg * t).astype(bf)
    xb = xb + jnp.dot(ff, w2[...], preferred_element_type=jnp.float32) + b2_[...]
    xb = _ln(xb, lnfs[...], lnfb[...]).astype(bf)
    out_ref[...] = (jnp.dot(xb, wp[...], preferred_element_type=jnp.float32)
                    + bp_[...]).astype(bf)


def _encoder(embed, posf, ln1_s, ln1_b, Wqkv, bqkv, Wo, bo,
             ln2_s, ln2_b, W1, b1, W2, b2, lnf_s, lnf_b, Wp, bp, nseq):
    grid = nseq // S
    row_spec = pl.BlockSpec((SL, D), lambda i: (i, 0))

    def fixed(shape):
        nd = len(shape)
        return pl.BlockSpec(shape, lambda i, _n=nd: (0,) * _n)

    in_specs = [
        row_spec,
        pl.BlockSpec((SL, D), lambda i: (i % (T // S), 0)),
        fixed((1, D)), fixed((1, D)),
        fixed((D, 3 * D)), fixed((1, 3 * D)),
        fixed((D, D)), fixed((1, D)),
        fixed((1, D)), fixed((1, D)),
        fixed((D, 4 * D)), fixed((1, 4 * D)),
        fixed((4 * D, D)), fixed((1, D)),
        fixed((1, D)), fixed((1, D)),
        fixed((D, D)), fixed((1, D)),
    ]
    return pl.pallas_call(
        _encoder_body,
        grid=(grid,),
        in_specs=in_specs,
        out_specs=row_spec,
        out_shape=jax.ShapeDtypeStruct((nseq * L, D), jnp.bfloat16),
        scratch_shapes=[
            pltpu.VMEM((D, 3 * D), jnp.bfloat16),
            pltpu.VMEM((D, D), jnp.bfloat16),
            pltpu.VMEM((D, 4 * D), jnp.bfloat16),
            pltpu.VMEM((4 * D, D), jnp.bfloat16),
            pltpu.VMEM((D, D), jnp.bfloat16),
        ],
    )(embed, posf, ln1_s, ln1_b, Wqkv, bqkv, Wo, bo,
      ln2_s, ln2_b, W1, b1, W2, b2, lnf_s, lnf_b, Wp, bp)


KC = 4096


def _squeeze_body(p_ref, w_ref, bsq_ref, out_ref):
    m = out_ref.shape[0]

    @pl.when(pl.program_id(0) == 0)
    def _init():
        out_ref[...] = jnp.broadcast_to(bsq_ref[...], (m, D))

    out_ref[...] += jnp.dot(p_ref[...].astype(jnp.float32), w_ref[...],
                            preferred_element_type=jnp.float32)


def _squeeze(proj2, Wsq, bsq):
    m = proj2.shape[0]
    return pl.pallas_call(
        _squeeze_body,
        grid=(L * D // KC,),
        in_specs=[
            pl.BlockSpec((m, KC), lambda j: (0, j)),
            pl.BlockSpec((KC, D), lambda j: (j, 0)),
            pl.BlockSpec((1, D), lambda j: (0, 0)),
        ],
        out_specs=pl.BlockSpec((m, D), lambda j: (0, 0)),
        out_shape=jax.ShapeDtypeStruct((m, D), jnp.float32),
    )(proj2, Wsq, bsq)


def kernel(token_ids, table, pos, ln1_s, ln1_b, Wqkv, bqkv, Wo, bo,
           ln2_s, ln2_b, W1, b1, W2, b2, lnf_s, lnf_b, Wp, bp, Wsq, bsq):
    flat_ids = token_ids.reshape(ROWS).astype(jnp.int32)
    posf = pos.reshape(T * L, D)
    qscale = jnp.concatenate(
        [jnp.full((D,), 1.0 / 8.0, jnp.float32), jnp.ones((2 * D,), jnp.float32)])
    Wqkv_s = Wqkv * qscale[None, :]
    bqkv_s = bqkv * qscale
    enc_args = (
        ln1_s.reshape(1, D), ln1_b.reshape(1, D),
        Wqkv_s, bqkv_s.reshape(1, 3 * D), Wo, bo.reshape(1, D),
        ln2_s.reshape(1, D), ln2_b.reshape(1, D),
        W1, b1.reshape(1, 4 * D), W2, b2.reshape(1, D),
        lnf_s.reshape(1, D), lnf_b.reshape(1, D),
        Wp, bp.reshape(1, D))
    embed = _sc_gather(table, flat_ids, ROWS)
    proj = _encoder(embed, posf, *enc_args, nseq=BT)
    sent = _squeeze(proj.reshape(BT, L * D), Wsq, bsq.reshape(1, D))
    return sent.reshape(B, T, D)

# --- scband reference (transcript-rebuilt; emitter-appended) ---
"""Pipeline reference for scband-fix-prompt-text-encoder-68135361183949 (READ-ONLY COPY).

The authoritative reference and input builder live on the scoring server;
editing this copy changes nothing except your own understanding.
"""

import jax, jax.numpy as jnp
import numpy as np

B, T, L, D = 16, 32, 40, 512
V = 49408
H = 8

def layer_norm(x, s, b):
    m = jnp.mean(x, axis=-1, keepdims=True)
    v = jnp.var(x, axis=-1, keepdims=True)
    return (x - m) / jnp.sqrt(v + 1e-5) * s + b

def setup_inputs(seed: int = 0) -> dict:
    key = jax.random.key(seed)
    ks = jax.random.split(key, 16)
    def n(i, shape, scale=0.02):
        return jax.random.normal(ks[i], shape, dtype=jnp.float32) * scale
    inp = {
        'token_ids': jax.random.randint(ks[0], (B, T, L), 0, V),
        'table': n(1, (V, D)),
        'pos': n(2, (T, L, D), 0.01),
        'ln1_s': jnp.ones((D,), jnp.float32), 'ln1_b': jnp.zeros((D,), jnp.float32),
        'Wqkv': n(3, (D, 3 * D)), 'bqkv': jnp.zeros((3 * D,), jnp.float32),
        'Wo': n(4, (D, D)), 'bo': jnp.zeros((D,), jnp.float32),
        'ln2_s': jnp.ones((D,), jnp.float32), 'ln2_b': jnp.zeros((D,), jnp.float32),
        'W1': n(5, (D, 4 * D)), 'b1': jnp.zeros((4 * D,), jnp.float32),
        'W2': n(6, (4 * D, D)), 'b2': jnp.zeros((D,), jnp.float32),
        'lnf_s': jnp.ones((D,), jnp.float32), 'lnf_b': jnp.zeros((D,), jnp.float32),
        'Wp': n(7, (D, D)), 'bp': jnp.zeros((D,), jnp.float32),
        'Wsq': n(8, (L * D, D)), 'bsq': jnp.zeros((D,), jnp.float32),
    }
    return inp

def reference(token_ids, table, pos, ln1_s, ln1_b, Wqkv, bqkv, Wo, bo, ln2_s, ln2_b, W1, b1, W2, b2, lnf_s, lnf_b, Wp, bp, Wsq, bsq):
    # token embedding lookup (nn.Embedding -> gather)
    x = jnp.take(table, token_ids, axis=0)                      # [B, T, L, D]
    # positional embedding [clip_seg_num, max_len, D]
    x = x + pos[None, :, :, :]
    xb = x.reshape(B * T, L, D)
    # one CLIP-style pre-LN residual attention block
    h = layer_norm(xb, ln1_s, ln1_b)
    qkv = h @ Wqkv + bqkv
    q, k, v = jnp.split(qkv, 3, axis=-1)
    dh = D // H
    def to_heads(t):
        return t.reshape(B * T, L, H, dh).transpose(0, 2, 1, 3)
    q, k, v = to_heads(q), to_heads(k), to_heads(v)
    att = jax.nn.softmax((q @ k.transpose(0, 1, 3, 2)) / jnp.sqrt(jnp.float32(dh)), axis=-1)
    o = (att @ v).transpose(0, 2, 1, 3).reshape(B * T, L, D)
    xb = xb + (o @ Wo + bo)
    h2 = layer_norm(xb, ln2_s, ln2_b)
    xb = xb + (jax.nn.gelu(h2 @ W1 + b1) @ W2 + b2)
    # ln_final + text_projection + squeeze_sentence
    xb = layer_norm(xb, lnf_s, lnf_b)
    proj = xb @ Wp + bp                                         # [B*T, L, D]
    sent = proj.reshape(B, T, L * D) @ Wsq + bsq                # [B, T, D]
    return sent

if __name__ == "__main__":
    import jax
    _d = setup_inputs()
    print(jax.jit(kernel)(*tuple(_d.values())))

</pallas_src>

<mosaic_0001>
#map = affine_map<(d0, d1) -> (0, 0)>
#map1 = affine_map<(d0, d1) -> (0)>
module attributes {stable_mosaic.version = 14 : i64} {
  func.func @gather_kernel(%arg0: i32, %arg1: i32, %arg2: memref<49408x512xf32, #tpu.memory_space<hbm>>, %arg3: memref<20480xi32, #tpu.memory_space<hbm>>, %arg4: memref<20480x512xf32, #tpu.memory_space<hbm>>, %arg5: memref<640xi32, #tpu.memory_space<vmem>>, %arg6: memref<80x512xf32, #tpu.memory_space<vmem>>, %arg7: memref<80x512xf32, #tpu.memory_space<vmem>>, %arg8: memref<80x512xf32, #tpu.memory_space<vmem>>, %arg9: memref<!tpu.dma_semaphore, #tpu.memory_space<semaphore_mem>>, %arg10: memref<!tpu.dma_semaphore, #tpu.memory_space<semaphore_mem>>, %arg11: memref<!tpu.dma_semaphore, #tpu.memory_space<semaphore_mem>>, %arg12: memref<!tpu.dma_semaphore, #tpu.memory_space<semaphore_mem>>, %arg13: memref<!tpu.dma_semaphore, #tpu.memory_space<semaphore_mem>>, %arg14: memref<!tpu.dma_semaphore, #tpu.memory_space<semaphore_mem>>) attributes {dimension_semantics = [#tpu.dimension_semantics<core_parallel>, #tpu.dimension_semantics<subcore_parallel>], iteration_bounds = array<i64: 2, 16>, scalar_prefetch = 0 : i64, scratch_operands = 10 : i64, tpu.core_type = #tpu.core_type<sc_vector_subcore>, window_params = [{transform_indices = #map}, {transform_indices = #map1}, {transform_indices = #map}]} {
    %mul3A = arith.constant 2 : i32
    %mul3A_0 = arith.muli %arg1, %mul3A : i32
    %add3A = arith.addi %mul3A_0, %arg0 : i32
    %mul3A_1 = arith.constant 640 : i32
    %mul3A_2 = arith.muli %add3A, %mul3A_1 : i32
    "tpu.region"() ({
      %run_scoped3A = tpu.sem_alloc : memref<!tpu.dma_semaphore, #tpu.memory_space<semaphore_mem>>
      %dma_start3A_161 = tpu.memref_slice %arg3[%mul3A_2] : memref<20480xi32, #tpu.memory_space<hbm>> -> memref<640xi32, #tpu.memory_space<hbm>>
      %dma_start3A_162 = tpu.memref_slice %arg3[%mul3A_2] : memref<20480xi32, #tpu.memory_space<hbm>> -> memref<640xi32, #tpu.memory_space<hbm>>
      tpu.enqueue_dma source(%dma_start3A_162 : memref<640xi32, #tpu.memory_space<hbm>>) target(%arg5 : memref<640xi32, #tpu.memory_space<vmem>>) target_semaphore(%run_scoped3A : memref<!tpu.dma_semaphore, #tpu.memory_space<semaphore_mem>>)
      %dma_wait3A_163 = tpu.memref_slice %arg3[%mul3A_2] : memref<20480xi32, #tpu.memory_space<hbm>> -> memref<640xi32, #tpu.memory_space<hbm>>
      %dma_wait3A_164 = tpu.memref_slice %arg3[%mul3A_2] : memref<20480xi32, #tpu.memory_space<hbm>> -> memref<640xi32, #tpu.memory_space<hbm>>
      tpu.wait_dma2 semaphore(%run_scoped3A : memref<!tpu.dma_semaphore, #tpu.memory_space<semaphore_mem>>) src(%dma_wait3A_164 : memref<640xi32, #tpu.memory_space<hbm>>) dst(%arg5 : memref<640xi32, #tpu.memory_space<vmem>>)
      tpu.yield
    }) : () -> ()
    %dma_start3A = arith.constant 0 : i32
    %dma_start3A_3 = tpu.memref_slice %arg5[%dma_start3A] : memref<640xi32, #tpu.memory_space<vmem>> -> memref<80xi32, #tpu.memory_space<vmem>>
    %dma_start3A_4 = arith.constant 0 : i32
    %dma_start3A_5 = arith.constant 0 : i32
    %dma_start3A_6 = tpu.memref_slice %arg2[%dma_start3A_4, %dma_start3A_5] : memref<49408x512xf32, #tpu.memory_space<hbm>> -> memref<49408x512xf32, #tpu.memory_space<hbm>>
    tpu.enqueue_indirect_dma source(%dma_start3A_6 : memref<49408x512xf32, #tpu.memory_space<hbm>>) target(%arg6 : memref<80x512xf32, #tpu.memory_space<vmem>>) offsets(%dma_start3A_3 : memref<80xi32, #tpu.memory_space<vmem>>) semaphore(%arg9 : memref<!tpu.dma_semaphore, #tpu.memory_space<semaphore_mem>>)
    %dma_start3A_7 = arith.constant 80 : i32
    %dma_start3A_8 = tpu.memref_slice %arg5[%dma_start3A_7] : memref<640xi32, #tpu.memory_space<vmem>> -> memref<80xi32, #tpu.memory_space<vmem>>
    %dma_start3A_9 = arith.constant 0 : i32
    %dma_start3A_10 = arith.constant 0 : i32
    %dma_start3A_11 = tpu.memref_slice %arg2[%dma_start3A_9, %dma_start3A_10] : memref<49408x512xf32, #tpu.memory_space<hbm>> -> memref<49408x512xf32, #tpu.memory_space<hbm>>
    tpu.enqueue_indirect_dma source(%dma_start3A_11 : memref<49408x512xf32, #tpu.memory_space<hbm>>) target(%arg7 : memref<80x512xf32, #tpu.memory_space<vmem>>) offsets(%dma_start3A_8 : memref<80xi32, #tpu.memory_space<vmem>>) semaphore(%arg10 : memref<!tpu.dma_semaphore, #tpu.memory_space<semaphore_mem>>)
    %dma_wait3A = arith.constant 0 : i32
    %dma_wait3A_12 = tpu.memref_slice %arg5[%dma_wait3A] : memref<640xi32, #tpu.memory_space<vmem>> -> memref<80xi32, #tpu.memory_space<vmem>>
    %dma_wait3A_13 = arith.constant 0 : i32
    %dma_wait3A_14 = arith.constant 0 : i32
    %dma_wait3A_15 = tpu.memref_slice %arg2[%dma_wait3A_13, %dma_wait3A_14] : memref<49408x512xf32, #tpu.memory_space<hbm>> -> memref<49408x512xf32, #tpu.memory_space<hbm>>
    tpu.wait_indirect_dma semaphore(%arg9 : memref<!tpu.dma_semaphore, #tpu.memory_space<semaphore_mem>>) src(%dma_wait3A_15 : memref<49408x512xf32, #tpu.memory_space<hbm>>) dst(%arg6 : memref<80x512xf32, #tpu.memory_space<vmem>>)
    %add3A_16 = arith.constant 0 : i32
    %add3A_17 = arith.addi %mul3A_2, %add3A_16 : i32
    %dma_start3A_18 = arith.constant 0 : i32
    %dma_start3A_19 = tpu.memref_slice %arg4[%add3A_17, %dma_start3A_18] : memref<20480x512xf32, #tpu.memory_space<hbm>> -> memref<80x512xf32, #tpu.memory_space<hbm>>
    %dma_start3A_20 = arith.constant 0 : i32
    %dma_start3A_21 = tpu.memref_slice %arg4[%add3A_17, %dma_start3A_20] : memref<20480x512xf32, #tpu.memory_space<hbm>> -> memref<80x512xf32, #tpu.memory_space<hbm>>
    tpu.enqueue_dma source(%arg6 : memref<80x512xf32, #tpu.memory_space<vmem>>) target(%dma_start3A_21 : memref<80x512xf32, #tpu.memory_space<hbm>>) target_semaphore(%arg12 : memref<!tpu.dma_semaphore, #tpu.memory_space<semaphore_mem>>)
    %dma_start3A_22 = arith.constant 160 : i32
    %dma_start3A_23 = tpu.memref_slice %arg5[%dma_start3A_22] : memref<640xi32, #tpu.memory_space<vmem>> -> memref<80xi32, #tpu.memory_space<vmem>>
    %dma_start3A_24 = arith.constant 0 : i32
    %dma_start3A_25 = arith.constant 0 : i32
    %dma_start3A_26 = tpu.memref_slice %arg2[%dma_start3A_24, %dma_start3A_25] : memref<49408x512xf32, #tpu.memory_space<hbm>> -> memref<49408x512xf32, #tpu.memory_space<hbm>>
    tpu.enqueue_indirect_dma source(%dma_start3A_26 : memref<49408x512xf32, #tpu.memory_space<hbm>>) target(%arg8 : memref<80x512xf32, #tpu.memory_space<vmem>>) offsets(%dma_start3A_23 : memref<80xi32, #tpu.memory_space<vmem>>) semaphore(%arg11 : memref<!tpu.dma_semaphore, #tpu.memory_space<semaphore_mem>>)
    %dma_wait3A_27 = arith.constant 80 : i32
    %dma_wait3A_28 = tpu.memref_slice %arg5[%dma_wait3A_27] : memref<640xi32, #tpu.memory_space<vmem>> -> memref<80xi32, #tpu.memory_space<vmem>>
    %dma_wait3A_29 = arith.constant 0 : i32
    %dma_wait3A_30 = arith.constant 0 : i32
    %dma_wait3A_31 = tpu.memref_slice %arg2[%dma_wait3A_29, %dma_wait3A_30] : memref<49408x512xf32, #tpu.memory_space<hbm>> -> memref<49408x512xf32, #tpu.memory_space<hbm>>
    tpu.wait_indirect_dma semaphore(%arg10 : memref<!tpu.dma_semaphore, #tpu.memory_space<semaphore_mem>>) src(%dma_wait3A_31 : memref<49408x512xf32, #tpu.memory_space<hbm>>) dst(%arg7 : memref<80x512xf32, #tpu.memory_space<vmem>>)
    %add3A_32 = arith.constant 80 : i32
    %add3A_33 = arith.addi %mul3A_2, %add3A_32 : i32
    %dma_start3A_34 = arith.constant 0 : i32
    %dma_start3A_35 = tpu.memref_slice %arg4[%add3A_33, %dma_start3A_34] : memref<20480x512xf32, #tpu.memory_space<hbm>> -> memref<80x512xf32, #tpu.memory_space<hbm>>
    %dma_start3A_36 = arith.constant 0 : i32
    %dma_start3A_37 = tpu.memref_slice %arg4[%add3A_33, %dma_start3A_36] : memref<20480x512xf32, #tpu.memory_space<hbm>> -> memref<80x512xf32, #tpu.memory_space<hbm>>
    tpu.enqueue_dma source(%arg7 : memref<80x512xf32, #tpu.memory_space<vmem>>) target(%dma_start3A_37 : memref<80x512xf32, #tpu.memory_space<hbm>>) target_semaphore(%arg13 : memref<!tpu.dma_semaphore, #tpu.memory_space<semaphore_mem>>)
    %dma_wait3A_38 = arith.constant 0 : i32
    %dma_wait3A_39 = tpu.memref_slice %arg4[%add3A_17, %dma_wait3A_38] : memref<20480x512xf32, #tpu.memory_space<hbm>> -> memref<80x512xf32, #tpu.memory_space<hbm>>
    %dma_wait3A_40 = arith.constant 0 : i32
    %dma_wait3A_41 = tpu.memref_slice %arg4[%add3A_17, %dma_wait3A_40] : memref<20480x512xf32, #tpu.memory_space<hbm>> -> memref<80x512xf32, #tpu.memory_space<hbm>>
    tpu.wait_dma2 semaphore(%arg12 : memref<!tpu.dma_semaphore, #tpu.memory_space<semaphore_mem>>) src(%arg6 : memref<80x512xf32, #tpu.memory_space<vmem>>) dst(%dma_wait3A_41 : memref<80x512xf32, #tpu.memory_space<hbm>>)
    %dma_start3A_42 = arith.constant 240 : i32
    %dma_start3A_43 = tpu.memref_slice %arg5[%dma_start3A_42] : memref<640xi32, #tpu.memory_space<vmem>> -> memref<80xi32, #tpu.memory_space<vmem>>
    %dma_start3A_44 = arith.constant 0 : i32
    %dma_start3A_45 = arith.constant 0 : i32
    %dma_start3A_46 = tpu.memref_slice %arg2[%dma_start3A_44, %dma_start3A_45] : memref<49408x512xf32, #tpu.memory_space<hbm>> -> memref<49408x512xf32, #tpu.memory_space<hbm>>
    tpu.enqueue_indirect_dma source(%dma_start3A_46 : memref<49408x512xf32, #tpu.memory_space<hbm>>) target(%arg6 : memref<80x512xf32, #tpu.memory_space<vmem>>) offsets(%dma_start3A_43 : memref<80xi32, #tpu.memory_space<vmem>>) semaphore(%arg9 : memref<!tpu.dma_semaphore, #tpu.memory_space<semaphore_mem>>)
    %dma_wait3A_47 = arith.constant 160 : i32
    %dma_wait3A_48 = tpu.memref_slice %arg5[%dma_wait3A_47] : memref<640xi32, #tpu.memory_space<vmem>> -> memref<80xi32, #tpu.memory_space<vmem>>
    %dma_wait3A_49 = arith.constant 0 : i32
    %dma_wait3A_50 = arith.constant 0 : i32
    %dma_wait3A_51 = tpu.memref_slice %arg2[%dma_wait3A_49, %dma_wait3A_50] : memref<49408x512xf32, #tpu.memory_space<hbm>> -> memref<49408x512xf32, #tpu.memory_space<hbm>>
    tpu.wait_indirect_dma semaphore(%arg11 : memref<!tpu.dma_semaphore, #tpu.memory_space<semaphore_mem>>) src(%dma_wait3A_51 : memref<49408x512xf32, #tpu.memory_space<hbm>>) dst(%arg8 : memref<80x512xf32, #tpu.memory_space<vmem>>)
    %add3A_52 = arith.constant 160 : i32
    %add3A_53 = arith.addi %mul3A_2, %add3A_52 : i32
    %dma_start3A_54 = arith.constant 0 : i32
    %dma_start3A_55 = tpu.memref_slice %arg4[%add3A_53, %dma_start3A_54] : memref<20480x512xf32, #tpu.memory_space<hbm>> -> memref<80x512xf32, #tpu.memory_space<hbm>>
    %dma_start3A_56 = arith.constant 0 : i32
    %dma_start3A_57 = tpu.memref_slice %arg4[%add3A_53, %dma_start3A_56] : memref<20480x512xf32, #tpu.memory_space<hbm>> -> memref<80x512xf32, #tpu.memory_space<hbm>>
    tpu.enqueue_dma source(%arg8 : memref<80x512xf32, #tpu.memory_space<vmem>>) target(%dma_start3A_57 : memref<80x512xf32, #tpu.memory_space<hbm>>) target_semaphore(%arg14 : memref<!tpu.dma_semaphore, #tpu.memory_space<semaphore_mem>>)
    %dma_wait3A_58 = arith.constant 0 : i32
    %dma_wait3A_59 = tpu.memref_slice %arg4[%add3A_33, %dma_wait3A_58] : memref<20480x512xf32, #tpu.memory_space<hbm>> -> memref<80x512xf32, #tpu.memory_space<hbm>>
    %dma_wait3A_60 = arith.constant 0 : i32
    %dma_wait3A_61 = tpu.memref_slice %arg4[%add3A_33, %dma_wait3A_60] : memref<20480x512xf32, #tpu.memory_space<hbm>> -> memref<80x512xf32, #tpu.memory_space<hbm>>
    tpu.wait_dma2 semaphore(%arg13 : memref<!tpu.dma_semaphore, #tpu.memory_space<semaphore_mem>>) src(%arg7 : memref<80x512xf32, #tpu.memory_space<vmem>>) dst(%dma_wait3A_61 : memref<80x512xf32, #tpu.memory_space<hbm>>)
    %dma_start3A_62 = arith.constant 320 : i32
    %dma_start3A_63 = tpu.memref_slice %arg5[%dma_start3A_62] : memref<640xi32, #tpu.memory_space<vmem>> -> memref<80xi32, #tpu.memory_space<vmem>>
    %dma_start3A_64 = arith.constant 0 : i32
    %dma_start3A_65 = arith.constant 0 : i32
    %dma_start3A_66 = tpu.memref_slice %arg2[%dma_start3A_64, %dma_start3A_65] : memref<49408x512xf32, #tpu.memory_space<hbm>> -> memref<49408x512xf32, #tpu.memory_space<hbm>>
    tpu.enqueue_indirect_dma source(%dma_start3A_66 : memref<49408x512xf32, #tpu.memory_space<hbm>>) target(%arg7 : memref<80x512xf32, #tpu.memory_space<vmem>>) offsets(%dma_start3A_63 : memref<80xi32, #tpu.memory_space<vmem>>) semaphore(%arg10 : memref<!tpu.dma_semaphore, #tpu.memory_space<semaphore_mem>>)
    %dma_wait3A_67 = arith.constant 240 : i32
    %dma_wait3A_68 = tpu.memref_slice %arg5[%dma_wait3A_67] : memref<640xi32, #tpu.memory_space<vmem>> -> memref<80xi32, #tpu.memory_space<vmem>>
    %dma_wait3A_69 = arith.constant 0 : i32
    %dma_wait3A_70 = arith.constant 0 : i32
    %dma_wait3A_71 = tpu.memref_slice %arg2[%dma_wait3A_69, %dma_wait3A_70] : memref<49408x512xf32, #tpu.memory_space<hbm>> -> memref<49408x512xf32, #tpu.memory_space<hbm>>
    tpu.wait_indirect_dma semaphore(%arg9 : memref<!tpu.dma_semaphore, #tpu.memory_space<semaphore_mem>>) src(%dma_wait3A_71 : memref<49408x512xf32, #tpu.memory_space<hbm>>) dst(%arg6 : memref<80x512xf32, #tpu.memory_space<vmem>>)
    %add3A_72 = arith.constant 240 : i32
    %add3A_73 = arith.addi %mul3A_2, %add3A_72 : i32
    %dma_start3A_74 = arith.constant 0 : i32
    %dma_start3A_75 = tpu.memref_slice %arg4[%add3A_73, %dma_start3A_74] : memref<20480x512xf32, #tpu.memory_space<hbm>> -> memref<80x512xf32, #tpu.memory_space<hbm>>
    %dma_start3A_76 = arith.constant 0 : i32
    %dma_start3A_77 = tpu.memref_slice %arg4[%add3A_73, %dma_start3A_76] : memref<20480x512xf32, #tpu.memory_space<hbm>> -> memref<80x512xf32, #tpu.memory_space<hbm>>
    tpu.enqueue_dma source(%arg6 : memref<80x512xf32, #tpu.memory_space<vmem>>) target(%dma_start3A_77 : memref<80x512xf32, #tpu.memory_space<hbm>>) target_semaphore(%arg12 : memref<!tpu.dma_semaphore, #tpu.memory_space<semaphore_mem>>)
    %dma_wait3A_78 = arith.constant 0 : i32
    %dma_wait3A_79 = tpu.memref_slice %arg4[%add3A_53, %dma_wait3A_78] : memref<20480x512xf32, #tpu.memory_space<hbm>> -> memref<80x512xf32, #tpu.memory_space<hbm>>
    %dma_wait3A_80 = arith.constant 0 : i32
    %dma_wait3A_81 = tpu.memref_slice %arg4[%add3A_53, %dma_wait3A_80] : memref<20480x512xf32, #tpu.memory_space<hbm>> -> memref<80x512xf32, #tpu.memory_space<hbm>>
    tpu.wait_dma2 semaphore(%arg14 : memref<!tpu.dma_semaphore, #tpu.memory_space<semaphore_mem>>) src(%arg8 : memref<80x512xf32, #tpu.memory_space<vmem>>) dst(%dma_wait3A_81 : memref<80x512xf32, #tpu.memory_space<hbm>>)
    %dma_start3A_82 = arith.constant 400 : i32
    %dma_start3A_83 = tpu.memref_slice %arg5[%dma_start3A_82] : memref<640xi32, #tpu.memory_space<vmem>> -> memref<80xi32, #tpu.memory_space<vmem>>
    %dma_start3A_84 = arith.constant 0 : i32
    %dma_start3A_85 = arith.constant 0 : i32
    %dma_start3A_86 = tpu.memref_slice %arg2[%dma_start3A_84, %dma_start3A_85] : memref<49408x512xf32, #tpu.memory_space<hbm>> -> memref<49408x512xf32, #tpu.memory_space<hbm>>
    tpu.enqueue_indirect_dma source(%dma_start3A_86 : memref<49408x512xf32, #tpu.memory_space<hbm>>) target(%arg8 : memref<80x512xf32, #tpu.memory_space<vmem>>) offsets(%dma_start3A_83 : memref<80xi32, #tpu.memory_space<vmem>>) semaphore(%arg11 : memref<!tpu.dma_semaphore, #tpu.memory_space<semaphore_mem>>)
    %dma_wait3A_87 = arith.constant 320 : i32
    %dma_wait3A_88 = tpu.memref_slice %arg5[%dma_wait3A_87] : memref<640xi32, #tpu.memory_space<vmem>> -> memref<80xi32, #tpu.memory_space<vmem>>
    %dma_wait3A_89 = arith.constant 0 : i32
    %dma_wait3A_90 = arith.constant 0 : i32
    %dma_wait3A_91 = tpu.memref_slice %arg2[%dma_wait3A_89, %dma_wait3A_90] : memref<49408x512xf32, #tpu.memory_space<hbm>> -> memref<49408x512xf32, #tpu.memory_space<hbm>>
    tpu.wait_indirect_dma semaphore(%arg10 : memref<!tpu.dma_semaphore, #tpu.memory_space<semaphore_mem>>) src(%dma_wait3A_91 : memref<49408x512xf32, #tpu.memory_space<hbm>>) dst(%arg7 : memref<80x512xf32, #tpu.memory_space<vmem>>)
    %add3A_92 = arith.constant 320 : i32
    %add3A_93 = arith.addi %mul3A_2, %add3A_92 : i32
    %dma_start3A_94 = arith.constant 0 : i32
    %dma_start3A_95 = tpu.memref_slice %arg4[%add3A_93, %dma_start3A_94] : memref<20480x512xf32, #tpu.memory_space<hbm>> -> memref<80x512xf32, #tpu.memory_space<hbm>>
    %dma_start3A_96 = arith.constant 0 : i32
    %dma_start3A_97 = tpu.memref_slice %arg4[%add3A_93, %dma_start3A_96] : memref<20480x512xf32, #tpu.memory_space<hbm>> -> memref<80x512xf32, #tpu.memory_space<hbm>>
    tpu.enqueue_dma source(%arg7 : memref<80x512xf32, #tpu.memory_space<vmem>>) target(%dma_start3A_97 : memref<80x512xf32, #tpu.memory_space<hbm>>) target_semaphore(%arg13 : memref<!tpu.dma_semaphore, #tpu.memory_space<semaphore_mem>>)
    %dma_wait3A_98 = arith.constant 0 : i32
    %dma_wait3A_99 = tpu.memref_slice %arg4[%add3A_73, %dma_wait3A_98] : memref<20480x512xf32, #tpu.memory_space<hbm>> -> memref<80x512xf32, #tpu.memory_space<hbm>>
    %dma_wait3A_100 = arith.constant 0 : i32
    %dma_wait3A_101 = tpu.memref_slice %arg4[%add3A_73, %dma_wait3A_100] : memref<20480x512xf32, #tpu.memory_space<hbm>> -> memref<80x512xf32, #tpu.memory_space<hbm>>
    tpu.wait_dma2 semaphore(%arg12 : memref<!tpu.dma_semaphore, #tpu.memory_space<semaphore_mem>>) src(%arg6 : memref<80x512xf32, #tpu.memory_space<vmem>>) dst(%dma_wait3A_101 : memref<80x512xf32, #tpu.memory_space<hbm>>)
    %dma_start3A_102 = arith.constant 480 : i32
    %dma_start3A_103 = tpu.memref_slice %arg5[%dma_start3A_102] : memref<640xi32, #tpu.memory_space<vmem>> -> memref<80xi32, #tpu.memory_space<vmem>>
    %dma_start3A_104 = arith.constant 0 : i32
    %dma_start3A_105 = arith.constant 0 : i32
    %dma_start3A_106 = tpu.memref_slice %arg2[%dma_start3A_104, %dma_start3A_105] : memref<49408x512xf32, #tpu.memory_space<hbm>> -> memref<49408x512xf32, #tpu.memory_space<hbm>>
    tpu.enqueue_indirect_dma source(%dma_start3A_106 : memref<49408x512xf32, #tpu.memory_space<hbm>>) target(%arg6 : memref<80x512xf32, #tpu.memory_space<vmem>>) offsets(%dma_start3A_103 : memref<80xi32, #tpu.memory_space<vmem>>) semaphore(%arg9 : memref<!tpu.dma_semaphore, #tpu.memory_space<semaphore_mem>>)
    %dma_wait3A_107 = arith.constant 400 : i32
    %dma_wait3A_108 = tpu.memref_slice %arg5[%dma_wait3A_107] : memref<640xi32, #tpu.memory_space<vmem>> -> memref<80xi32, #tpu.memory_space<vmem>>
    %dma_wait3A_109 = arith.constant 0 : i32
    %dma_wait3A_110 = arith.constant 0 : i32
    %dma_wait3A_111 = tpu.memref_slice %arg2[%dma_wait3A_109, %dma_wait3A_110] : memref<49408x512xf32, #tpu.memory_space<hbm>> -> memref<49408x512xf32, #tpu.memory_space<hbm>>
    tpu.wait_indirect_dma semaphore(%arg11 : memref<!tpu.dma_semaphore, #tpu.memory_space<semaphore_mem>>) src(%dma_wait3A_111 : memref<49408x512xf32, #tpu.memory_space<hbm>>) dst(%arg8 : memref<80x512xf32, #tpu.memory_space<vmem>>)
    %add3A_112 = arith.constant 400 : i32
    %add3A_113 = arith.addi %mul3A_2, %add3A_112 : i32
    %dma_start3A_114 = arith.constant 0 : i32
    %dma_start3A_115 = tpu.memref_slice %arg4[%add3A_113, %dma_start3A_114] : memref<20480x512xf32, #tpu.memory_space<hbm>> -> memref<80x512xf32, #tpu.memory_space<hbm>>
    %dma_start3A_116 = arith.constant 0 : i32
    %dma_start3A_117 = tpu.memref_slice %arg4[%add3A_113, %dma_start3A_116] : memref<20480x512xf32, #tpu.memory_space<hbm>> -> memref<80x512xf32, #tpu.memory_space<hbm>>
    tpu.enqueue_dma source(%arg8 : memref<80x512xf32, #tpu.memory_space<vmem>>) target(%dma_start3A_117 : memref<80x512xf32, #tpu.memory_space<hbm>>) target_semaphore(%arg14 : memref<!tpu.dma_semaphore, #tpu.memory_space<semaphore_mem>>)
    %dma_wait3A_118 = arith.constant 0 : i32
    %dma_wait3A_119 = tpu.memref_slice %arg4[%add3A_93, %dma_wait3A_118] : memref<20480x512xf32, #tpu.memory_space<hbm>> -> memref<80x512xf32, #tpu.memory_space<hbm>>
    %dma_wait3A_120 = arith.constant 0 : i32
    %dma_wait3A_121 = tpu.memref_slice %arg4[%add3A_93, %dma_wait3A_120] : memref<20480x512xf32, #tpu.memory_space<hbm>> -> memref<80x512xf32, #tpu.memory_space<hbm>>
    tpu.wait_dma2 semaphore(%arg13 : memref<!tpu.dma_semaphore, #tpu.memory_space<semaphore_mem>>) src(%arg7 : memref<80x512xf32, #tpu.memory_space<vmem>>) dst(%dma_wait3A_121 : memref<80x512xf32, #tpu.memory_space<hbm>>)
    %dma_start3A_122 = arith.constant 560 : i32
    %dma_start3A_123 = tpu.memref_slice %arg5[%dma_start3A_122] : memref<640xi32, #tpu.memory_space<vmem>> -> memref<80xi32, #tpu.memory_space<vmem>>
    %dma_start3A_124 = arith.constant 0 : i32
    %dma_start3A_125 = arith.constant 0 : i32
    %dma_start3A_126 = tpu.memref_slice %arg2[%dma_start3A_124, %dma_start3A_125] : memref<49408x512xf32, #tpu.memory_space<hbm>> -> memref<49408x512xf32, #tpu.memory_space<hbm>>
    tpu.enqueue_indirect_dma source(%dma_start3A_126 : memref<49408x512xf32, #tpu.memory_space<hbm>>) target(%arg7 : memref<80x512xf32, #tpu.memory_space<vmem>>) offsets(%dma_start3A_123 : memref<80xi32, #tpu.memory_space<vmem>>) semaphore(%arg10 : memref<!tpu.dma_semaphore, #tpu.memory_space<semaphore_mem>>)
    %dma_wait3A_127 = arith.constant 480 : i32
    %dma_wait3A_128 = tpu.memref_slice %arg5[%dma_wait3A_127] : memref<640xi32, #tpu.memory_space<vmem>> -> memref<80xi32, #tpu.memory_space<vmem>>
    %dma_wait3A_129 = arith.constant 0 : i32
    %dma_wait3A_130 = arith.constant 0 : i32
    %dma_wait3A_131 = tpu.memref_slice %arg2[%dma_wait3A_129, %dma_wait3A_130] : memref<49408x512xf32, #tpu.memory_space<hbm>> -> memref<49408x512xf32, #tpu.memory_space<hbm>>
    tpu.wait_indirect_dma semaphore(%arg9 : memref<!tpu.dma_semaphore, #tpu.memory_space<semaphore_mem>>) src(%dma_wait3A_131 : memref<49408x512xf32, #tpu.memory_space<hbm>>) dst(%arg6 : memref<80x512xf32, #tpu.memory_space<vmem>>)
    %add3A_132 = arith.constant 480 : i32
    %add3A_133 = arith.addi %mul3A_2, %add3A_132 : i32
    %dma_start3A_134 = arith.constant 0 : i32
    %dma_start3A_135 = tpu.memref_slice %arg4[%add3A_133, %dma_start3A_134] : memref<20480x512xf32, #tpu.memory_space<hbm>> -> memref<80x512xf32, #tpu.memory_space<hbm>>
    %dma_start3A_136 = arith.constant 0 : i32
    %dma_start3A_137 = tpu.memref_slice %arg4[%add3A_133, %dma_start3A_136] : memref<20480x512xf32, #tpu.memory_space<hbm>> -> memref<80x512xf32, #tpu.memory_space<hbm>>
    tpu.enqueue_dma source(%arg6 : memref<80x512xf32, #tpu.memory_space<vmem>>) target(%dma_start3A_137 : memref<80x512xf32, #tpu.memory_space<hbm>>) target_semaphore(%arg12 : memref<!tpu.dma_semaphore, #tpu.memory_space<semaphore_mem>>)
    %dma_wait3A_138 = arith.constant 560 : i32
    %dma_wait3A_139 = tpu.memref_slice %arg5[%dma_wait3A_138] : memref<640xi32, #tpu.memory_space<vmem>> -> memref<80xi32, #tpu.memory_space<vmem>>
    %dma_wait3A_140 = arith.constant 0 : i32
    %dma_wait3A_141 = arith.constant 0 : i32
    %dma_wait3A_142 = tpu.memref_slice %arg2[%dma_wait3A_140, %dma_wait3A_141] : memref<49408x512xf32, #tpu.memory_space<hbm>> -> memref<49408x512xf32, #tpu.memory_space<hbm>>
    tpu.wait_indirect_dma semaphore(%arg10 : memref<!tpu.dma_semaphore, #tpu.memory_space<semaphore_mem>>) src(%dma_wait3A_142 : memref<49408x512xf32, #tpu.memory_space<hbm>>) dst(%arg7 : memref<80x512xf32, #tpu.memory_space<vmem>>)
    %add3A_143 = arith.constant 560 : i32
    %add3A_144 = arith.addi %mul3A_2, %add3A_143 : i32
    %dma_start3A_145 = arith.constant 0 : i32
    %dma_start3A_146 = tpu.memref_slice %arg4[%add3A_144, %dma_start3A_145] : memref<20480x512xf32, #tpu.memory_space<hbm>> -> memref<80x512xf32, #tpu.memory_space<hbm>>
    %dma_start3A_147 = arith.constant 0 : i32
    %dma_start3A_148 = tpu.memref_slice %arg4[%add3A_144, %dma_start3A_147] : memref<20480x512xf32, #tpu.memory_space<hbm>> -> memref<80x512xf32, #tpu.memory_space<hbm>>
    tpu.enqueue_dma source(%arg7 : memref<80x512xf32, #tpu.memory_space<vmem>>) target(%dma_start3A_148 : memref<80x512xf32, #tpu.memory_space<hbm>>) target_semaphore(%arg13 : memref<!tpu.dma_semaphore, #tpu.memory_space<semaphore_mem>>)
    %dma_wait3A_149 = arith.constant 0 : i32
    %dma_wait3A_150 = tpu.memref_slice %arg4[%add3A_133, %dma_wait3A_149] : memref<20480x512xf32, #tpu.memory_space<hbm>> -> memref<80x512xf32, #tpu.memory_space<hbm>>
    %dma_wait3A_151 = arith.constant 0 : i32
    %dma_wait3A_152 = tpu.memref_slice %arg4[%add3A_133, %dma_wait3A_151] : memref<20480x512xf32, #tpu.memory_space<hbm>> -> memref<80x512xf32, #tpu.memory_space<hbm>>
    tpu.wait_dma2 semaphore(%arg12 : memref<!tpu.dma_semaphore, #tpu.memory_space<semaphore_mem>>) src(%arg6 : memref<80x512xf32, #tpu.memory_space<vmem>>) dst(%dma_wait3A_152 : memref<80x512xf32, #tpu.memory_space<hbm>>)
    %dma_wait3A_153 = arith.constant 0 : i32
    %dma_wait3A_154 = tpu.memref_slice %arg4[%add3A_144, %dma_wait3A_153] : memref<20480x512xf32, #tpu.memory_space<hbm>> -> memref<80x512xf32, #tpu.memory_space<hbm>>
    %dma_wait3A_155 = arith.constant 0 : i32
    %dma_wait3A_156 = tpu.memref_slice %arg4[%add3A_144, %dma_wait3A_155] : memref<20480x512xf32, #tpu.memory_space<hbm>> -> memref<80x512xf32, #tpu.memory_space<hbm>>
    tpu.wait_dma2 semaphore(%arg13 : memref<!tpu.dma_semaphore, #tpu.memory_space<semaphore_mem>>) src(%arg7 : memref<80x512xf32, #tpu.memory_space<vmem>>) dst(%dma_wait3A_156 : memref<80x512xf32, #tpu.memory_space<hbm>>)
    %dma_wait3A_157 = arith.constant 0 : i32
    %dma_wait3A_158 = tpu.memref_slice %arg4[%add3A_113, %dma_wait3A_157] : memref<20480x512xf32, #tpu.memory_space<hbm>> -> memref<80x512xf32, #tpu.memory_space<hbm>>
    %dma_wait3A_159 = arith.constant 0 : i32
    %dma_wait3A_160 = tpu.memref_slice %arg4[%add3A_113, %dma_wait3A_159] : memref<20480x512xf32, #tpu.memory_space<hbm>> -> memref<80x512xf32, #tpu.memory_space<hbm>>
    tpu.wait_dma2 semaphore(%arg14 : memref<!tpu.dma_semaphore, #tpu.memory_space<semaphore_mem>>) src(%arg8 : memref<80x512xf32, #tpu.memory_space<vmem>>) dst(%dma_wait3A_160 : memref<80x512xf32, #tpu.memory_space<hbm>>)
    return
  }
}

module attributes {stable_mosaic.version = 14 : i64} {
  func.func @_encoder_body(%arg0: i32, %arg1: memref<1280x512xf32, #tpu.memory_space<vmem>>, %arg2: memref<1280x512xf32, #tpu.memory_space<vmem>>, %arg3: memref<1x512xf32, #tpu.memory_space<vmem>>, %arg4: memref<1x512xf32, #tpu.memory_space<vmem>>, %arg5: memref<512x1536xf32, #tpu.memory_space<vmem>>, %arg6: memref<1x1536xf32, #tpu.memory_space<vmem>>, %arg7: memref<512x512xf32, #tpu.memory_space<vmem>>, %arg8: memref<1x512xf32, #tpu.memory_space<vmem>>, %arg9: memref<1x512xf32, #tpu.memory_space<vmem>>, %arg10: memref<1x512xf32, #tpu.memory_space<vmem>>, %arg11: memref<512x2048xf32, #tpu.memory_space<vmem>>, %arg12: memref<1x2048xf32, #tpu.memory_space<vmem>>, %arg13: memref<2048x512xf32, #tpu.memory_space<vmem>>, %arg14: memref<1x512xf32, #tpu.memory_space<vmem>>, %arg15: memref<1x512xf32, #tpu.memory_space<vmem>>, %arg16: memref<1x512xf32, #tpu.memory_space<vmem>>, %arg17: memref<512x512xf32, #tpu.memory_space<vmem>>, %arg18: memref<1x512xf32, #tpu.memory_space<vmem>>, %arg19: memref<1280x512xbf16, #tpu.memory_space<vmem>>, %arg20: memref<512x1536xbf16, #tpu.memory_space<vmem>>, %arg21: memref<512x512xbf16, #tpu.memory_space<vmem>>, %arg22: memref<512x2048xbf16, #tpu.memory_space<vmem>>, %arg23: memref<2048x512xbf16, #tpu.memory_space<vmem>>, %arg24: memref<512x512xbf16, #tpu.memory_space<vmem>>) attributes {dimension_semantics = [#tpu.dimension_semantics<arbitrary>], iteration_bounds = array<i64: 16>, scalar_prefetch = 0 : i64, scratch_operands = 5 : i64, tpu.core_type = #tpu.core_type<tc>, window_params = [{transform_indices = @transform_0, window_bounds = array<i64: 1280, 512>}, {transform_indices = @transform_1, window_bounds = array<i64: 1280, 512>}, {pipeline_mode = #tpu.pipeline_mode<synchronous>, transform_indices = @transform_2, window_bounds = array<i64: 1, 512>}, {pipeline_mode = #tpu.pipeline_mode<synchronous>, transform_indices = @transform_3, window_bounds = array<i64: 1, 512>}, {pipeline_mode = #tpu.pipeline_mode<synchronous>, transform_indices = @transform_4, window_bounds = array<i64: 512, 1536>}, {pipeline_mode = #tpu.pipeline_mode<synchronous>, transform_indices = @transform_5, window_bounds = array<i64: 1, 1536>}, {pipeline_mode = #tpu.pipeline_mode<synchronous>, transform_indices = @transform_6, window_bounds = array<i64: 512, 512>}, {pipeline_mode = #tpu.pipeline_mode<synchronous>, transform_indices = @transform_7, window_bounds = array<i64: 1, 512>}, {pipeline_mode = #tpu.pipeline_mode<synchronous>, transform_indices = @transform_8, window_bounds = array<i64: 1, 512>}, {pipeline_mode = #tpu.pipeline_mode<synchronous>, transform_indices = @transform_9, window_bounds = array<i64: 1, 512>}, {pipeline_mode = #tpu.pipeline_mode<synchronous>, transform_indices = @transform_10, window_bounds = array<i64: 512, 2048>}, {pipeline_mode = #tpu.pipeline_mode<synchronous>, transform_indices = @transform_11, window_bounds = array<i64: 1, 2048>}, {pipeline_mode = #tpu.pipeline_mode<synchronous>, transform_indices = @transform_12, window_bounds = array<i64: 2048, 512>}, {pipeline_mode = #tpu.pipeline_mode<synchronous>, transform_indices = @transform_13, window_bounds = array<i64: 1, 512>}, {pipeline_mode = #tpu.pipeline_mode<synchronous>, transform_indices = @transform_14, window_bounds = array<i64: 1, 512>}, {pipeline_mode = #tpu.pipeline_mode<synchronous>, transform_indices = @transform_15, window_bounds = array<i64: 1, 512>}, {pipeline_mode = #tpu.pipeline_mode<synchronous>, transform_indices = @transform_16, window_bounds = array<i64: 512, 512>}, {pipeline_mode = #tpu.pipeline_mode<synchronous>, transform_indices = @transform_17, window_bounds = array<i64: 1, 512>}, {transform_indices = @transform_18, window_bounds = array<i64: 1280, 512>}]} {
    %eq3A = arith.constant 0 : i32
    %eq3A_0 = arith.cmpi eq, %arg0, %eq3A : i32
    %convert_element_type3A = arith.extui %eq3A_0 : i1 to i32
    %cond3A = arith.constant 0 : i32
    %cond3A_1 = arith.cmpi ne, %convert_element_type3A, %cond3A : i32
    scf.if %cond3A_1 {
      %get3A_349 = arith.constant 0 : index
      %get3A_350 = arith.constant 0 : index
      %get3A_351 = vector.load %arg5[%get3A_349, %get3A_350] : memref<512x1536xf32, #tpu.memory_space<vmem>>, vector<512x1536xf32>
      %convert_element_type3A_352 = arith.truncf %get3A_351 : vector<512x1536xf32> to vector<512x1536xbf16>
      %swap3A_353 = arith.constant 0 : index
      %swap3A_354 = arith.constant 0 : index
      %swap3A_355 = vector.load %arg20[%swap3A_353, %swap3A_354] : memref<512x1536xbf16, #tpu.memory_space<vmem>>, vector<512x1536xbf16>
      tpu.vector_store %arg20[%swap3A_353, %swap3A_354], %convert_element_type3A_352 {strides = array<i32>} : memref<512x1536xbf16, #tpu.memory_space<vmem>>, vector<512x1536xbf16>,
      %get3A_356 = arith.constant 0 : index
      %get3A_357 = arith.constant 0 : index
      %get3A_358 = vector.load %arg7[%get3A_356, %get3A_357] : memref<512x512xf32, #tpu.memory_space<vmem>>, vector<512x512xf32>
      %convert_element_type3A_359 = arith.truncf %get3A_358 : vector<512x512xf32> to vector<512x512xbf16>
      %swap3A_360 = arith.constant 0 : index
      %swap3A_361 = arith.constant 0 : index
      %swap3A_362 = vector.load %arg21[%swap3A_360, %swap3A_361] : memref<512x512xbf16, #tpu.memory_space<vmem>>, vector<512x512xbf16>
      tpu.vector_store %arg21[%swap3A_360, %swap3A_361], %convert_element_type3A_359 {strides = array<i32>} : memref<512x512xbf16, #tpu.memory_space<vmem>>, vector<512x512xbf16>,
      %get3A_363 = arith.constant 0 : index
      %get3A_364 = arith.constant 0 : index
      %get3A_365 = vector.load %arg11[%get3A_363, %get3A_364] : memref<512x2048xf32, #tpu.memory_space<vmem>>, vector<512x2048xf32>
      %convert_element_type3A_366 = arith.truncf %get3A_365 : vector<512x2048xf32> to vector<512x2048xbf16>
      %swap3A_367 = arith.constant 0 : index
      %swap3A_368 = arith.constant 0 : index
      %swap3A_369 = vector.load %arg22[%swap3A_367, %swap3A_368] : memref<512x2048xbf16, #tpu.memory_space<vmem>>, vector<512x2048xbf16>
      tpu.vector_store %arg22[%swap3A_367, %swap3A_368], %convert_element_type3A_366 {strides = array<i32>} : memref<512x2048xbf16, #tpu.memory_space<vmem>>, vector<512x2048xbf16>,
      %get3A_370 = arith.constant 0 : index
      %get3A_371 = arith.constant 0 : index
      %get3A_372 = vector.load %arg13[%get3A_370, %get3A_371] : memref<2048x512xf32, #tpu.memory_space<vmem>>, vector<2048x512xf32>
      %convert_element_type3A_373 = arith.truncf %get3A_372 : vector<2048x512xf32> to vector<2048x512xbf16>
      %swap3A_374 = arith.constant 0 : index
      %swap3A_375 = arith.constant 0 : index
      %swap3A_376 = vector.load %arg23[%swap3A_374, %swap3A_375] : memref<2048x512xbf16, #tpu.memory_space<vmem>>, vector<2048x512xbf16>
      tpu.vector_store %arg23[%swap3A_374, %swap3A_375], %convert_element_type3A_373 {strides = array<i32>} : memref<2048x512xbf16, #tpu.memory_space<vmem>>, vector<2048x512xbf16>,
      %get3A_377 = arith.constant 0 : index
      %get3A_378 = arith.constant 0 : index
      %get3A_379 = vector.load %arg17[%get3A_377, %get3A_378] : memref<512x512xf32, #tpu.memory_space<vmem>>, vector<512x512xf32>
      %convert_element_type3A_380 = arith.truncf %get3A_379 : vector<512x512xf32> to vector<512x512xbf16>
      %swap3A_381 = arith.constant 0 : index
      %swap3A_382 = arith.constant 0 : index
      %swap3A_383 = vector.load %arg24[%swap3A_381, %swap3A_382] : memref<512x512xbf16, #tpu.memory_space<vmem>>, vector<512x512xbf16>
      tpu.vector_store %arg24[%swap3A_381, %swap3A_382], %convert_element_type3A_380 {strides = array<i32>} : memref<512x512xbf16, #tpu.memory_space<vmem>>, vector<512x512xbf16>,
    } else {
    }
    %get3A = arith.constant 0 : index
    %get3A_2 = arith.constant 0 : index
    %get3A_3 = vector.load %arg1[%get3A, %get3A_2] : memref<1280x512xf32, #tpu.memory_space<vmem>>, vector<1280x512xf32>
    %get3A_4 = arith.constant 0 : index
    %get3A_5 = arith.constant 0 : index
    %get3A_6 = vector.load %arg2[%get3A_4, %get3A_5] : memref<1280x512xf32, #tpu.memory_space<vmem>>, vector<1280x512xf32>
    %add3A = arith.addf %get3A_3, %get3A_6 : vector<1280x512xf32>
    %get3A_7 = arith.constant 0 : index
    %get3A_8 = arith.constant 0 : index
    %get3A_9 = vector.load %arg3[%get3A_7, %get3A_8] : memref<1x512xf32, #tpu.memory_space<vmem>>, vector<1x512xf32>
    %get3A_10 = arith.constant 0 : index
    %get3A_11 = arith.constant 0 : index
    %get3A_12 = vector.load %arg4[%get3A_10, %get3A_11] : memref<1x512xf32, #tpu.memory_space<vmem>>, vector<1x512xf32>
    %reduce_sum3A = arith.constant dense<0.000000e+00> : vector<1280xf32>
    %reduce_sum3A_13 = vector.multi_reduction <add>, %add3A, %reduce_sum3A [1] : vector<1280x512xf32> to vector<1280xf32>
    %broadcast_in_dim3A = vector.shape_cast %reduce_sum3A_13 : vector<1280xf32> to vector<1280x1xf32>
    %div3A = arith.constant 5.120000e+02 : f32
    %div3A_14 = vector.broadcast %div3A : f32 to vector<1280x1xf32>
    %div3A_15 = arith.divf %broadcast_in_dim3A, %div3A_14 : vector<1280x1xf32>
    %sub3A = vector.broadcast %div3A_15 : vector<1280x1xf32> to vector<1280x512xf32>
    %sub3A_16 = arith.subf %add3A, %sub3A : vector<1280x512xf32>
    %integer_pow3A = arith.mulf %sub3A_16, %sub3A_16 : vector<1280x512xf32>
    %reduce_sum3A_17 = arith.constant dense<0.000000e+00> : vector<1280xf32>
    %reduce_sum3A_18 = vector.multi_reduction <add>, %integer_pow3A, %reduce_sum3A_17 [1] : vector<1280x512xf32> to vector<1280xf32>
    %broadcast_in_dim3A_19 = vector.shape_cast %reduce_sum3A_18 : vector<1280xf32> to vector<1280x1xf32>
    %div3A_20 = arith.constant 5.120000e+02 : f32
    %div3A_21 = vector.broadcast %div3A_20 : f32 to vector<1280x1xf32>
    %div3A_22 = arith.divf %broadcast_in_dim3A_19, %div3A_21 : vector<1280x1xf32>
    %sub3A_23 = vector.broadcast %div3A_15 : vector<1280x1xf32> to vector<1280x512xf32>
    %sub3A_24 = arith.subf %add3A, %sub3A_23 : vector<1280x512xf32>
    %add3A_25 = arith.constant 9.99999974E-6 : f32
    %add3A_26 = vector.broadcast %add3A_25 : f32 to vector<1280x1xf32>
    %add3A_27 = arith.addf %div3A_22, %add3A_26 : vector<1280x1xf32>
    %rsqrt3A = math.rsqrt %add3A_27 : vector<1280x1xf32>
    %mul3A = vector.broadcast %rsqrt3A : vector<1280x1xf32> to vector<1280x512xf32>
    %mul3A_28 = arith.mulf %sub3A_24, %mul3A : vector<1280x512xf32>
    %mul3A_29 = vector.broadcast %get3A_9 : vector<1x512xf32> to vector<1280x512xf32>
    %mul3A_30 = arith.mulf %mul3A_28, %mul3A_29 : vector<1280x512xf32>
    %add3A_31 = vector.broadcast %get3A_12 : vector<1x512xf32> to vector<1280x512xf32>
    %add3A_32 = arith.addf %mul3A_30, %add3A_31 : vector<1280x512xf32>
    %convert_element_type3A_33 = arith.truncf %add3A_32 : vector<1280x512xf32> to vector<1280x512xbf16>
    %get3A_34 = arith.constant 0 : index
    %get3A_35 = arith.constant 0 : index
    %get3A_36 = vector.load %arg20[%get3A_34, %get3A_35] : memref<512x1536xbf16, #tpu.memory_space<vmem>>, vector<512x1536xbf16>
    %dot_general3A = arith.constant dense<0.000000e+00> : vector<1280x1536xf32>
    %dot_general3A_37 = tpu.matmul %convert_element_type3A_33, %get3A_36, %dot_general3A {dimension_numbers = #tpu.dot_dimension_numbers<[1], [0], [0], [1], [0, 0, 1, 1], [], []>, transpose_lhs_hint = false} : vector<1280x512xbf16>, vector<512x1536xbf16>, vector<1280x1536xf32> -> vector<1280x1536xf32>
    %get3A_38 = arith.constant 0 : index
    %get3A_39 = arith.constant 0 : index
    %get3A_40 = vector.load %arg6[%get3A_38, %get3A_39] : memref<1x1536xf32, #tpu.memory_space<vmem>>, vector<1x1536xf32>
    %add3A_41 = vector.broadcast %get3A_40 : vector<1x1536xf32> to vector<1280x1536xf32>
    %add3A_42 = arith.addf %dot_general3A_37, %add3A_41 : vector<1280x1536xf32>
    %slice3A = vector.extract_strided_slice %add3A_42 {offsets = [0, 0], sizes = [1280, 512], strides = [1, 1]} : vector<1280x1536xf32> to vector<1280x512xf32>
    %slice3A_43 = vector.extract_strided_slice %add3A_42 {offsets = [0, 512], sizes = [1280, 512], strides = [1, 1]} : vector<1280x1536xf32> to vector<1280x512xf32>
    %convert_element_type3A_44 = arith.truncf %slice3A_43 : vector<1280x512xf32> to vector<1280x512xbf16>
    %slice3A_45 = vector.extract_strided_slice %add3A_42 {offsets = [0, 1024], sizes = [1280, 512], strides = [1, 1]} : vector<1280x1536xf32> to vector<1280x512xf32>
    %convert_element_type3A_46 = arith.truncf %slice3A_45 : vector<1280x512xf32> to vector<1280x512xbf16>
    %slice3A_47 = vector.extract_strided_slice %slice3A {offsets = [0, 0], sizes = [1280, 64], strides = [1, 1]} : vector<1280x512xf32> to vector<1280x64xf32>
    %convert_element_type3A_48 = arith.truncf %slice3A_47 : vector<1280x64xf32> to vector<1280x64xbf16>
    %reshape3A = vector.shape_cast %convert_element_type3A_48 : vector<1280x64xbf16> to vector<32x40x64xbf16>
    %slice3A_49 = vector.extract_strided_slice %convert_element_type3A_44 {offsets = [0, 0], sizes = [1280, 64], strides = [1, 1]} : vector<1280x512xbf16> to vector<1280x64xbf16>
    %reshape3A_50 = vector.shape_cast %slice3A_49 : vector<1280x64xbf16> to vector<32x40x64xbf16>
    %slice3A_51 = vector.extract_strided_slice %convert_element_type3A_46 {offsets = [0, 0], sizes = [1280, 64], strides = [1, 1]} : vector<1280x512xbf16> to vector<1280x64xbf16>
    %reshape3A_52 = vector.shape_cast %slice3A_51 : vector<1280x64xbf16> to vector<32x40x64xbf16>
    %dot_general3A_53 = arith.constant dense<0.000000e+00> : vector<32x40x40xf32>
    %dot_general3A_54 = tpu.matmul %reshape3A, %reshape3A_50, %dot_general3A_53 {dimension_numbers = #tpu.dot_dimension_numbers<[2], [2], [1], [1], [0, 0, 0, 1, 1, 1], [0], [0]>, transpose_lhs_hint = false} : vector<32x40x64xbf16>, vector<32x40x64xbf16>, vector<32x40x40xf32> -> vector<32x40x40xf32>
    %exp3A = math.exp %dot_general3A_54 : vector<32x40x40xf32>
    %reduce_sum3A_55 = arith.constant dense<0.000000e+00> : vector<32x40xf32>
    %reduce_sum3A_56 = vector.multi_reduction <add>, %exp3A, %reduce_sum3A_55 [2] : vector<32x40x40xf32> to vector<32x40xf32>
    %broadcast_in_dim3A_57 = vector.shape_cast %reduce_sum3A_56 : vector<32x40xf32> to vector<32x40x1xf32>
    %div3A_58 = arith.constant 1.000000e+00 : f32
    %div3A_59 = vector.broadcast %div3A_58 : f32 to vector<32x40x1xf32>
    %div3A_60 = arith.divf %div3A_59, %broadcast_in_dim3A_57 : vector<32x40x1xf32>
    %convert_element_type3A_61 = arith.truncf %exp3A : vector<32x40x40xf32> to vector<32x40x40xbf16>
    %dot_general3A_62 = arith.constant dense<0.000000e+00> : vector<32x40x64xf32>
    %dot_general3A_63 = tpu.matmul %convert_element_type3A_61, %reshape3A_52, %dot_general3A_62 {dimension_numbers = #tpu.dot_dimension_numbers<[2], [1], [1], [2], [0, 0, 0, 1, 1, 2], [0], [0]>, transpose_lhs_hint = false} : vector<32x40x40xbf16>, vector<32x40x64xbf16>, vector<32x40x64xf32> -> vector<32x40x64xf32>
    %mul3A_64 = vector.broadcast %div3A_60 : vector<32x40x1xf32> to vector<32x40x64xf32>
    %mul3A_65 = arith.mulf %dot_general3A_63, %mul3A_64 : vector<32x40x64xf32>
    %reshape3A_66 = vector.shape_cast %mul3A_65 : vector<32x40x64xf32> to vector<1280x64xf32>
    %slice3A_67 = vector.extract_strided_slice %slice3A {offsets = [0, 64], sizes = [1280, 64], strides = [1, 1]} : vector<1280x512xf32> to vector<1280x64xf32>
    %convert_element_type3A_68 = arith.truncf %slice3A_67 : vector<1280x64xf32> to vector<1280x64xbf16>
    %reshape3A_69 = vector.shape_cast %convert_element_type3A_68 : vector<1280x64xbf16> to vector<32x40x64xbf16>
    %slice3A_70 = vector.extract_strided_slice %convert_element_type3A_44 {offsets = [0, 64], sizes = [1280, 64], strides = [1, 1]} : vector<1280x512xbf16> to vector<1280x64xbf16>
    %reshape3A_71 = vector.shape_cast %slice3A_70 : vector<1280x64xbf16> to vector<32x40x64xbf16>
    %slice3A_72 = vector.extract_strided_slice %convert_element_type3A_46 {offsets = [0, 64], sizes = [1280, 64], strides = [1, 1]} : vector<1280x512xbf16> to vector<1280x64xbf16>
    %reshape3A_73 = vector.shape_cast %slice3A_72 : vector<1280x64xbf16> to vector<32x40x64xbf16>
    %dot_general3A_74 = arith.constant dense<0.000000e+00> : vector<32x40x40xf32>
    %dot_general3A_75 = tpu.matmul %reshape3A_69, %reshape3A_71, %dot_general3A_74 {dimension_numbers = #tpu.dot_dimension_numbers<[2], [2], [1], [1], [0, 0, 0, 1, 1, 1], [0], [0]>, transpose_lhs_hint = false} : vector<32x40x64xbf16>, vector<32x40x64xbf16>, vector<32x40x40xf32> -> vector<32x40x40xf32>
    %exp3A_76 = math.exp %dot_general3A_75 : vector<32x40x40xf32>
    %reduce_sum3A_77 = arith.constant dense<0.000000e+00> : vector<32x40xf32>
    %reduce_sum3A_78 = vector.multi_reduction <add>, %exp3A_76, %reduce_sum3A_77 [2] : vector<32x40x40xf32> to vector<32x40xf32>
    %broadcast_in_dim3A_79 = vector.shape_cast %reduce_sum3A_78 : vector<32x40xf32> to vector<32x40x1xf32>
    %div3A_80 = arith.constant 1.000000e+00 : f32
    %div3A_81 = vector.broadcast %div3A_80 : f32 to vector<32x40x1xf32>
    %div3A_82 = arith.divf %div3A_81, %broadcast_in_dim3A_79 : vector<32x40x1xf32>
    %convert_element_type3A_83 = arith.truncf %exp3A_76 : vector<32x40x40xf32> to vector<32x40x40xbf16>
    %dot_general3A_84 = arith.constant dense<0.000000e+00> : vector<32x40x64xf32>
    %dot_general3A_85 = tpu.matmul %convert_element_type3A_83, %reshape3A_73, %dot_general3A_84 {dimension_numbers = #tpu.dot_dimension_numbers<[2], [1], [1], [2], [0, 0, 0, 1, 1, 2], [0], [0]>, transpose_lhs_hint = false} : vector<32x40x40xbf16>, vector<32x40x64xbf16>, vector<32x40x64xf32> -> vector<32x40x64xf32>
    %mul3A_86 = vector.broadcast %div3A_82 : vector<32x40x1xf32> to vector<32x40x64xf32>
    %mul3A_87 = arith.mulf %dot_general3A_85, %mul3A_86 : vector<32x40x64xf32>
    %reshape3A_88 = vector.shape_cast %mul3A_87 : vector<32x40x64xf32> to vector<1280x64xf32>
    %slice3A_89 = vector.extract_strided_slice %slice3A {offsets = [0, 128], sizes = [1280, 64], strides = [1, 1]} : vector<1280x512xf32> to vector<1280x64xf32>
    %convert_element_type3A_90 = arith.truncf %slice3A_89 : vector<1280x64xf32> to vector<1280x64xbf16>
    %reshape3A_91 = vector.shape_cast %convert_element_type3A_90 : vector<1280x64xbf16> to vector<32x40x64xbf16>
    %slice3A_92 = vector.extract_strided_slice %convert_element_type3A_44 {offsets = [0, 128], sizes = [1280, 64], strides = [1, 1]} : vector<1280x512xbf16> to vector<1280x64xbf16>
    %reshape3A_93 = vector.shape_cast %slice3A_92 : vector<1280x64xbf16> to vector<32x40x64xbf16>
    %slice3A_94 = vector.extract_strided_slice %convert_element_type3A_46 {offsets = [0, 128], sizes = [1280, 64], strides = [1, 1]} : vector<1280x512xbf16> to vector<1280x64xbf16>
    %reshape3A_95 = vector.shape_cast %slice3A_94 : vector<1280x64xbf16> to vector<32x40x64xbf16>
    %dot_general3A_96 = arith.constant dense<0.000000e+00> : vector<32x40x40xf32>
    %dot_general3A_97 = tpu.matmul %reshape3A_91, %reshape3A_93, %dot_general3A_96 {dimension_numbers = #tpu.dot_dimension_numbers<[2], [2], [1], [1], [0, 0, 0, 1, 1, 1], [0], [0]>, transpose_lhs_hint = false} : vector<32x40x64xbf16>, vector<32x40x64xbf16>, vector<32x40x40xf32> -> vector<32x40x40xf32>
    %exp3A_98 = math.exp %dot_general3A_97 : vector<32x40x40xf32>
    %reduce_sum3A_99 = arith.constant dense<0.000000e+00> : vector<32x40xf32>
    %reduce_sum3A_100 = vector.multi_reduction <add>, %exp3A_98, %reduce_sum3A_99 [2] : vector<32x40x40xf32> to vector<32x40xf32>
    %broadcast_in_dim3A_101 = vector.shape_cast %reduce_sum3A_100 : vector<32x40xf32> to vector<32x40x1xf32>
    %div3A_102 = arith.constant 1.000000e+00 : f32
    %div3A_103 = vector.broadcast %div3A_102 : f32 to vector<32x40x1xf32>
    %div3A_104 = arith.divf %div3A_103, %broadcast_in_dim3A_101 : vector<32x40x1xf32>
    %convert_element_type3A_105 = arith.truncf %exp3A_98 : vector<32x40x40xf32> to vector<32x40x40xbf16>
    %dot_general3A_106 = arith.constant dense<0.000000e+00> : vector<32x40x64xf32>
    %dot_general3A_107 = tpu.matmul %convert_element_type3A_105, %reshape3A_95, %dot_general3A_106 {dimension_numbers = #tpu.dot_dimension_numbers<[2], [1], [1], [2], [0, 0, 0, 1, 1, 2], [0], [0]>, transpose_lhs_hint = false} : vector<32x40x40xbf16>, vector<32x40x64xbf16>, vector<32x40x64xf32> -> vector<32x40x64xf32>
    %mul3A_108 = vector.broadcast %div3A_104 : vector<32x40x1xf32> to vector<32x40x64xf32>
    %mul3A_109 = arith.mulf %dot_general3A_107, %mul3A_108 : vector<32x40x64xf32>
    %reshape3A_110 = vector.shape_cast %mul3A_109 : vector<32x40x64xf32> to vector<1280x64xf32>
    %slice3A_111 = vector.extract_strided_slice %slice3A {offsets = [0, 192], sizes = [1280, 64], strides = [1, 1]} : vector<1280x512xf32> to vector<1280x64xf32>
    %convert_element_type3A_112 = arith.truncf %slice3A_111 : vector<1280x64xf32> to vector<1280x64xbf16>
    %reshape3A_113 = vector.shape_cast %convert_element_type3A_112 : vector<1280x64xbf16> to vector<32x40x64xbf16>
    %slice3A_114 = vector.extract_strided_slice %convert_element_type3A_44 {offsets = [0, 192], sizes = [1280, 64], strides = [1, 1]} : vector<1280x512xbf16> to vector<1280x64xbf16>
    %reshape3A_115 = vector.shape_cast %slice3A_114 : vector<1280x64xbf16> to vector<32x40x64xbf16>
    %slice3A_116 = vector.extract_strided_slice %convert_element_type3A_46 {offsets = [0, 192], sizes = [1280, 64], strides = [1, 1]} : vector<1280x512xbf16> to vector<1280x64xbf16>
    %reshape3A_117 = vector.shape_cast %slice3A_116 : vector<1280x64xbf16> to vector<32x40x64xbf16>
    %dot_general3A_118 = arith.constant dense<0.000000e+00> : vector<32x40x40xf32>
    %dot_general3A_119 = tpu.matmul %reshape3A_113, %reshape3A_115, %dot_general3A_118 {dimension_numbers = #tpu.dot_dimension_numbers<[2], [2], [1], [1], [0, 0, 0, 1, 1, 1], [0], [0]>, transpose_lhs_hint = false} : vector<32x40x64xbf16>, vector<32x40x64xbf16>, vector<32x40x40xf32> -> vector<32x40x40xf32>
    %exp3A_120 = math.exp %dot_general3A_119 : vector<32x40x40xf32>
    %reduce_sum3A_121 = arith.constant dense<0.000000e+00> : vector<32x40xf32>
    %reduce_sum3A_122 = vector.multi_reduction <add>, %exp3A_120, %reduce_sum3A_121 [2] : vector<32x40x40xf32> to vector<32x40xf32>
    %broadcast_in_dim3A_123 = vector.shape_cast %reduce_sum3A_122 : vector<32x40xf32> to vector<32x40x1xf32>
    %div3A_124 = arith.constant 1.000000e+00 : f32
    %div3A_125 = vector.broadcast %div3A_124 : f32 to vector<32x40x1xf32>
    %div3A_126 = arith.divf %div3A_125, %broadcast_in_dim3A_123 : vector<32x40x1xf32>
    %convert_element_type3A_127 = arith.truncf %exp3A_120 : vector<32x40x40xf32> to vector<32x40x40xbf16>
    %dot_general3A_128 = arith.constant dense<0.000000e+00> : vector<32x40x64xf32>
    %dot_general3A_129 = tpu.matmul %convert_element_type3A_127, %reshape3A_117, %dot_general3A_128 {dimension_numbers = #tpu.dot_dimension_numbers<[2], [1], [1], [2], [0, 0, 0, 1, 1, 2], [0], [0]>, transpose_lhs_hint = false} : vector<32x40x40xbf16>, vector<32x40x64xbf16>, vector<32x40x64xf32> -> vector<32x40x64xf32>
    %mul3A_130 = vector.broadcast %div3A_126 : vector<32x40x1xf32> to vector<32x40x64xf32>
    %mul3A_131 = arith.mulf %dot_general3A_129, %mul3A_130 : vector<32x40x64xf32>
    %reshape3A_132 = vector.shape_cast %mul3A_131 : vector<32x40x64xf32> to vector<1280x64xf32>
    %slice3A_133 = vector.extract_strided_slice %slice3A {offsets = [0, 256], sizes = [1280, 64], strides = [1, 1]} : vector<1280x512xf32> to vector<1280x64xf32>
    %convert_element_type3A_134 = arith.truncf %slice3A_133 : vector<1280x64xf32> to vector<1280x64xbf16>
    %reshape3A_135 = vector.shape_cast %convert_element_type3A_134 : vector<1280x64xbf16> to vector<32x40x64xbf16>
    %slice3A_136 = vector.extract_strided_slice %convert_element_type3A_44 {offsets = [0, 256], sizes = [1280, 64], strides = [1, 1]} : vector<1280x512xbf16> to vector<1280x64xbf16>
    %reshape3A_137 = vector.shape_cast %slice3A_136 : vector<1280x64xbf16> to vector<32x40x64xbf16>
    %slice3A_138 = vector.extract_strided_slice %convert_element_type3A_46 {offsets = [0, 256], sizes = [1280, 64], strides = [1, 1]} : vector<1280x512xbf16> to vector<1280x64xbf16>
    %reshape3A_139 = vector.shape_cast %slice3A_138 : vector<1280x64xbf16> to vector<32x40x64xbf16>
    %dot_general3A_140 = arith.constant dense<0.000000e+00> : vector<32x40x40xf32>
    %dot_general3A_141 = tpu.matmul %reshape3A_135, %reshape3A_137, %dot_general3A_140 {dimension_numbers = #tpu.dot_dimension_numbers<[2], [2], [1], [1], [0, 0, 0, 1, 1, 1], [0], [0]>, transpose_lhs_hint = false} : vector<32x40x64xbf16>, vector<32x40x64xbf16>, vector<32x40x40xf32> -> vector<32x40x40xf32>
    %exp3A_142 = math.exp %dot_general3A_141 : vector<32x40x40xf32>
    %reduce_sum3A_143 = arith.constant dense<0.000000e+00> : vector<32x40xf32>
    %reduce_sum3A_144 = vector.multi_reduction <add>, %exp3A_142, %reduce_sum3A_143 [2] : vector<32x40x40xf32> to vector<32x40xf32>
    %broadcast_in_dim3A_145 = vector.shape_cast %reduce_sum3A_144 : vector<32x40xf32> to vector<32x40x1xf32>
    %div3A_146 = arith.constant 1.000000e+00 : f32
    %div3A_147 = vector.broadcast %div3A_146 : f32 to vector<32x40x1xf32>
    %div3A_148 = arith.divf %div3A_147, %broadcast_in_dim3A_145 : vector<32x40x1xf32>
    %convert_element_type3A_149 = arith.truncf %exp3A_142 : vector<32x40x40xf32> to vector<32x40x40xbf16>
    %dot_general3A_150 = arith.constant dense<0.000000e+00> : vector<32x40x64xf32>
    %dot_general3A_151 = tpu.matmul %convert_element_type3A_149, %reshape3A_139, %dot_general3A_150 {dimension_numbers = #tpu.dot_dimension_numbers<[2], [1], [1], [2], [0, 0, 0, 1, 1, 2], [0], [0]>, transpose_lhs_hint = false} : vector<32x40x40xbf16>, vector<32x40x64xbf16>, vector<32x40x64xf32> -> vector<32x40x64xf32>
    %mul3A_152 = vector.broadcast %div3A_148 : vector<32x40x1xf32> to vector<32x40x64xf32>
    %mul3A_153 = arith.mulf %dot_general3A_151, %mul3A_152 : vector<32x40x64xf32>
    %reshape3A_154 = vector.shape_cast %mul3A_153 : vector<32x40x64xf32> to vector<1280x64xf32>
    %slice3A_155 = vector.extract_strided_slice %slice3A {offsets = [0, 320], sizes = [1280, 64], strides = [1, 1]} : vector<1280x512xf32> to vector<1280x64xf32>
    %convert_element_type3A_156 = arith.truncf %slice3A_155 : vector<1280x64xf32> to vector<1280x64xbf16>
    %reshape3A_157 = vector.shape_cast %convert_element_type3A_156 : vector<1280x64xbf16> to vector<32x40x64xbf16>
    %slice3A_158 = vector.extract_strided_slice %convert_element_type3A_44 {offsets = [0, 320], sizes = [1280, 64], strides = [1, 1]} : vector<1280x512xbf16> to vector<1280x64xbf16>
    %reshape3A_159 = vector.shape_cast %slice3A_158 : vector<1280x64xbf16> to vector<32x40x64xbf16>
    %slice3A_160 = vector.extract_strided_slice %convert_element_type3A_46 {offsets = [0, 320], sizes = [1280, 64], strides = [1, 1]} : vector<1280x512xbf16> to vector<1280x64xbf16>
    %reshape3A_161 = vector.shape_cast %slice3A_160 : vector<1280x64xbf16> to vector<32x40x64xbf16>
    %dot_general3A_162 = arith.constant dense<0.000000e+00> : vector<32x40x40xf32>
    %dot_general3A_163 = tpu.matmul %reshape3A_157, %reshape3A_159, %dot_general3A_162 {dimension_numbers = #tpu.dot_dimension_numbers<[2], [2], [1], [1], [0, 0, 0, 1, 1, 1], [0], [0]>, transpose_lhs_hint = false} : vector<32x40x64xbf16>, vector<32x40x64xbf16>, vector<32x40x40xf32> -> vector<32x40x40xf32>
    %exp3A_164 = math.exp %dot_general3A_163 : vector<32x40x40xf32>
    %reduce_sum3A_165 = arith.constant dense<0.000000e+00> : vector<32x40xf32>
    %reduce_sum3A_166 = vector.multi_reduction <add>, %exp3A_164, %reduce_sum3A_165 [2] : vector<32x40x40xf32> to vector<32x40xf32>
    %broadcast_in_dim3A_167 = vector.shape_cast %reduce_sum3A_166 : vector<32x40xf32> to vector<32x40x1xf32>
    %div3A_168 = arith.constant 1.000000e+00 : f32
    %div3A_169 = vector.broadcast %div3A_168 : f32 to vector<32x40x1xf32>
    %div3A_170 = arith.divf %div3A_169, %broadcast_in_dim3A_167 : vector<32x40x1xf32>
    %convert_element_type3A_171 = arith.truncf %exp3A_164 : vector<32x40x40xf32> to vector<32x40x40xbf16>
    %dot_general3A_172 = arith.constant dense<0.000000e+00> : vector<32x40x64xf32>
    %dot_general3A_173 = tpu.matmul %convert_element_type3A_171, %reshape3A_161, %dot_general3A_172 {dimension_numbers = #tpu.dot_dimension_numbers<[2], [1], [1], [2], [0, 0, 0, 1, 1, 2], [0], [0]>, transpose_lhs_hint = false} : vector<32x40x40xbf16>, vector<32x40x64xbf16>, vector<32x40x64xf32> -> vector<32x40x64xf32>
    %mul3A_174 = vector.broadcast %div3A_170 : vector<32x40x1xf32> to vector<32x40x64xf32>
    %mul3A_175 = arith.mulf %dot_general3A_173, %mul3A_174 : vector<32x40x64xf32>
    %reshape3A_176 = vector.shape_cast %mul3A_175 : vector<32x40x64xf32> to vector<1280x64xf32>
    %slice3A_177 = vector.extract_strided_slice %slice3A {offsets = [0, 384], sizes = [1280, 64], strides = [1, 1]} : vector<1280x512xf32> to vector<1280x64xf32>
    %convert_element_type3A_178 = arith.truncf %slice3A_177 : vector<1280x64xf32> to vector<1280x64xbf16>
    %reshape3A_179 = vector.shape_cast %convert_element_type3A_178 : vector<1280x64xbf16> to vector<32x40x64xbf16>
    %slice3A_180 = vector.extract_strided_slice %convert_element_type3A_44 {offsets = [0, 384], sizes = [1280, 64], strides = [1, 1]} : vector<1280x512xbf16> to vector<1280x64xbf16>
    %reshape3A_181 = vector.shape_cast %slice3A_180 : vector<1280x64xbf16> to vector<32x40x64xbf16>
    %slice3A_182 = vector.extract_strided_slice %convert_element_type3A_46 {offsets = [0, 384], sizes = [1280, 64], strides = [1, 1]} : vector<1280x512xbf16> to vector<1280x64xbf16>
    %reshape3A_183 = vector.shape_cast %slice3A_182 : vector<1280x64xbf16> to vector<32x40x64xbf16>
    %dot_general3A_184 = arith.constant dense<0.000000e+00> : vector<32x40x40xf32>
    %dot_general3A_185 = tpu.matmul %reshape3A_179, %reshape3A_181, %dot_general3A_184 {dimension_numbers = #tpu.dot_dimension_numbers<[2], [2], [1], [1], [0, 0, 0, 1, 1, 1], [0], [0]>, transpose_lhs_hint = false} : vector<32x40x64xbf16>, vector<32x40x64xbf16>, vector<32x40x40xf32> -> vector<32x40x40xf32>
    %exp3A_186 = math.exp %dot_general3A_185 : vector<32x40x40xf32>
    %reduce_sum3A_187 = arith.constant dense<0.000000e+00> : vector<32x40xf32>
    %reduce_sum3A_188 = vector.multi_reduction <add>, %exp3A_186, %reduce_sum3A_187 [2] : vector<32x40x40xf32> to vector<32x40xf32>
    %broadcast_in_dim3A_189 = vector.shape_cast %reduce_sum3A_188 : vector<32x40xf32> to vector<32x40x1xf32>
    %div3A_190 = arith.constant 1.000000e+00 : f32
    %div3A_191 = vector.broadcast %div3A_190 : f32 to vector<32x40x1xf32>
    %div3A_192 = arith.divf %div3A_191, %broadcast_in_dim3A_189 : vector<32x40x1xf32>
    %convert_element_type3A_193 = arith.truncf %exp3A_186 : vector<32x40x40xf32> to vector<32x40x40xbf16>
    %dot_general3A_194 = arith.constant dense<0.000000e+00> : vector<32x40x64xf32>
    %dot_general3A_195 = tpu.matmul %convert_element_type3A_193, %reshape3A_183, %dot_general3A_194 {dimension_numbers = #tpu.dot_dimension_numbers<[2], [1], [1], [2], [0, 0, 0, 1, 1, 2], [0], [0]>, transpose_lhs_hint = false} : vector<32x40x40xbf16>, vector<32x40x64xbf16>, vector<32x40x64xf32> -> vector<32x40x64xf32>
    %mul3A_196 = vector.broadcast %div3A_192 : vector<32x40x1xf32> to vector<32x40x64xf32>
    %mul3A_197 = arith.mulf %dot_general3A_195, %mul3A_196 : vector<32x40x64xf32>
    %reshape3A_198 = vector.shape_cast %mul3A_197 : vector<32x40x64xf32> to vector<1280x64xf32>
    %slice3A_199 = vector.extract_strided_slice %slice3A {offsets = [0, 448], sizes = [1280, 64], strides = [1, 1]} : vector<1280x512xf32> to vector<1280x64xf32>
    %convert_element_type3A_200 = arith.truncf %slice3A_199 : vector<1280x64xf32> to vector<1280x64xbf16>
    %reshape3A_201 = vector.shape_cast %convert_element_type3A_200 : vector<1280x64xbf16> to vector<32x40x64xbf16>
    %slice3A_202 = vector.extract_strided_slice %convert_element_type3A_44 {offsets = [0, 448], sizes = [1280, 64], strides = [1, 1]} : vector<1280x512xbf16> to vector<1280x64xbf16>
    %reshape3A_203 = vector.shape_cast %slice3A_202 : vector<1280x64xbf16> to vector<32x40x64xbf16>
    %slice3A_204 = vector.extract_strided_slice %convert_element_type3A_46 {offsets = [0, 448], sizes = [1280, 64], strides = [1, 1]} : vector<1280x512xbf16> to vector<1280x64xbf16>
    %reshape3A_205 = vector.shape_cast %slice3A_204 : vector<1280x64xbf16> to vector<32x40x64xbf16>
    %dot_general3A_206 = arith.constant dense<0.000000e+00> : vector<32x40x40xf32>
    %dot_general3A_207 = tpu.matmul %reshape3A_201, %reshape3A_203, %dot_general3A_206 {dimension_numbers = #tpu.dot_dimension_numbers<[2], [2], [1], [1], [0, 0, 0, 1, 1, 1], [0], [0]>, transpose_lhs_hint = false} : vector<32x40x64xbf16>, vector<32x40x64xbf16>, vector<32x40x40xf32> -> vector<32x40x40xf32>
    %exp3A_208 = math.exp %dot_general3A_207 : vector<32x40x40xf32>
    %reduce_sum3A_209 = arith.constant dense<0.000000e+00> : vector<32x40xf32>
    %reduce_sum3A_210 = vector.multi_reduction <add>, %exp3A_208, %reduce_sum3A_209 [2] : vector<32x40x40xf32> to vector<32x40xf32>
    %broadcast_in_dim3A_211 = vector.shape_cast %reduce_sum3A_210 : vector<32x40xf32> to vector<32x40x1xf32>
    %div3A_212 = arith.constant 1.000000e+00 : f32
    %div3A_213 = vector.broadcast %div3A_212 : f32 to vector<32x40x1xf32>
    %div3A_214 = arith.divf %div3A_213, %broadcast_in_dim3A_211 : vector<32x40x1xf32>
    %convert_element_type3A_215 = arith.truncf %exp3A_208 : vector<32x40x40xf32> to vector<32x40x40xbf16>
    %dot_general3A_216 = arith.constant dense<0.000000e+00> : vector<32x40x64xf32>
    %dot_general3A_217 = tpu.matmul %convert_element_type3A_215, %reshape3A_205, %dot_general3A_216 {dimension_numbers = #tpu.dot_dimension_numbers<[2], [1], [1], [2], [0, 0, 0, 1, 1, 2], [0], [0]>, transpose_lhs_hint = false} : vector<32x40x40xbf16>, vector<32x40x64xbf16>, vector<32x40x64xf32> -> vector<32x40x64xf32>
    %mul3A_218 = vector.broadcast %div3A_214 : vector<32x40x1xf32> to vector<32x40x64xf32>
    %mul3A_219 = arith.mulf %dot_general3A_217, %mul3A_218 : vector<32x40x64xf32>
    %reshape3A_220 = vector.shape_cast %mul3A_219 : vector<32x40x64xf32> to vector<1280x64xf32>
    %concatenate3A = tpu.concatenate %reshape3A_66, %reshape3A_88, %reshape3A_110, %reshape3A_132, %reshape3A_154, %reshape3A_176, %reshape3A_198, %reshape3A_220 in 1 : vector<1280x64xf32>, vector<1280x64xf32>, vector<1280x64xf32>, vector<1280x64xf32>, vector<1280x64xf32>, vector<1280x64xf32>, vector<1280x64xf32>, vector<1280x64xf32> -> vector<1280x512xf32>
    %convert_element_type3A_221 = arith.truncf %concatenate3A : vector<1280x512xf32> to vector<1280x512xbf16>
    %get3A_222 = arith.constant 0 : index
    %get3A_223 = arith.constant 0 : index
    %get3A_224 = vector.load %arg21[%get3A_222, %get3A_223] : memref<512x512xbf16, #tpu.memory_space<vmem>>, vector<512x512xbf16>
    %dot_general3A_225 = arith.constant dense<0.000000e+00> : vector<1280x512xf32>
    %dot_general3A_226 = tpu.matmul %convert_element_type3A_221, %get3A_224, %dot_general3A_225 {dimension_numbers = #tpu.dot_dimension_numbers<[1], [0], [0], [1], [0, 0, 1, 1], [], []>, transpose_lhs_hint = false} : vector<1280x512xbf16>, vector<512x512xbf16>, vector<1280x512xf32> -> vector<1280x512xf32>
    %add3A_227 = arith.addf %add3A, %dot_general3A_226 : vector<1280x512xf32>
    %get3A_228 = arith.constant 0 : index
    %get3A_229 = arith.constant 0 : index
    %get3A_230 = vector.load %arg8[%get3A_228, %get3A_229] : memref<1x512xf32, #tpu.memory_space<vmem>>, vector<1x512xf32>
    %add3A_231 = vector.broadcast %get3A_230 : vector<1x512xf32> to vector<1280x512xf32>
    %add3A_232 = arith.addf %add3A_227, %add3A_231 : vector<1280x512xf32>
    %get3A_233 = arith.constant 0 : index
    %get3A_234 = arith.constant 0 : index
    %get3A_235 = vector.load %arg9[%get3A_233, %get3A_234] : memref<1x512xf32, #tpu.memory_space<vmem>>, vector<1x512xf32>
    %get3A_236 = arith.constant 0 : index
    %get3A_237 = arith.constant 0 : index
    %get3A_238 = vector.load %arg10[%get3A_236, %get3A_237] : memref<1x512xf32, #tpu.memory_space<vmem>>, vector<1x512xf32>
    %reduce_sum3A_239 = arith.constant dense<0.000000e+00> : vector<1280xf32>
    %reduce_sum3A_240 = vector.multi_reduction <add>, %add3A_232, %reduce_sum3A_239 [1] : vector<1280x512xf32> to vector<1280xf32>
    %broadcast_in_dim3A_241 = vector.shape_cast %reduce_sum3A_240 : vector<1280xf32> to vector<1280x1xf32>
    %div3A_242 = arith.constant 5.120000e+02 : f32
    %div3A_243 = vector.broadcast %div3A_242 : f32 to vector<1280x1xf32>
    %div3A_244 = arith.divf %broadcast_in_dim3A_241, %div3A_243 : vector<1280x1xf32>
    %sub3A_245 = vector.broadcast %div3A_244 : vector<1280x1xf32> to vector<1280x512xf32>
    %sub3A_246 = arith.subf %add3A_232, %sub3A_245 : vector<1280x512xf32>
    %integer_pow3A_247 = arith.mulf %sub3A_246, %sub3A_246 : vector<1280x512xf32>
    %reduce_sum3A_248 = arith.constant dense<0.000000e+00> : vector<1280xf32>
    %reduce_sum3A_249 = vector.multi_reduction <add>, %integer_pow3A_247, %reduce_sum3A_248 [1] : vector<1280x512xf32> to vector<1280xf32>
    %broadcast_in_dim3A_250 = vector.shape_cast %reduce_sum3A_249 : vector<1280xf32> to vector<1280x1xf32>
    %div3A_251 = arith.constant 5.120000e+02 : f32
    %div3A_252 = vector.broadcast %div3A_251 : f32 to vector<1280x1xf32>
    %div3A_253 = arith.divf %broadcast_in_dim3A_250, %div3A_252 : vector<1280x1xf32>
    %sub3A_254 = vector.broadcast %div3A_244 : vector<1280x1xf32> to vector<1280x512xf32>
    %sub3A_255 = arith.subf %add3A_232, %sub3A_254 : vector<1280x512xf32>
    %add3A_256 = arith.constant 9.99999974E-6 : f32
    %add3A_257 = vector.broadcast %add3A_256 : f32 to vector<1280x1xf32>
    %add3A_258 = arith.addf %div3A_253, %add3A_257 : vector<1280x1xf32>
    %rsqrt3A_259 = math.rsqrt %add3A_258 : vector<1280x1xf32>
    %mul3A_260 = vector.broadcast %rsqrt3A_259 : vector<1280x1xf32> to vector<1280x512xf32>
    %mul3A_261 = arith.mulf %sub3A_255, %mul3A_260 : vector<1280x512xf32>
    %mul3A_262 = vector.broadcast %get3A_235 : vector<1x512xf32> to vector<1280x512xf32>
    %mul3A_263 = arith.mulf %mul3A_261, %mul3A_262 : vector<1280x512xf32>
    %add3A_264 = vector.broadcast %get3A_238 : vector<1x512xf32> to vector<1280x512xf32>
    %add3A_265 = arith.addf %mul3A_263, %add3A_264 : vector<1280x512xf32>
    %convert_element_type3A_266 = arith.truncf %add3A_265 : vector<1280x512xf32> to vector<1280x512xbf16>
    %get3A_267 = arith.constant 0 : index
    %get3A_268 = arith.constant 0 : index
    %get3A_269 = vector.load %arg22[%get3A_267, %get3A_268] : memref<512x2048xbf16, #tpu.memory_space<vmem>>, vector<512x2048xbf16>
    %dot_general3A_270 = arith.constant dense<0.000000e+00> : vector<1280x2048xf32>
    %dot_general3A_271 = tpu.matmul %convert_element_type3A_266, %get3A_269, %dot_general3A_270 {dimension_numbers = #tpu.dot_dimension_numbers<[1], [0], [0], [1], [0, 0, 1, 1], [], []>, transpose_lhs_hint = false} : vector<1280x512xbf16>, vector<512x2048xbf16>, vector<1280x2048xf32> -> vector<1280x2048xf32>
    %get3A_272 = arith.constant 0 : index
    %get3A_273 = arith.constant 0 : index
    %get3A_274 = vector.load %arg12[%get3A_272, %get3A_273] : memref<1x2048xf32, #tpu.memory_space<vmem>>, vector<1x2048xf32>
    %add3A_275 = vector.broadcast %get3A_274 : vector<1x2048xf32> to vector<1280x2048xf32>
    %add3A_276 = arith.addf %dot_general3A_271, %add3A_275 : vector<1280x2048xf32>
    %mul3A_277 = arith.constant 5.000000e-01 : f32
    %mul3A_278 = vector.broadcast %mul3A_277 : f32 to vector<1280x2048xf32>
    %mul3A_279 = arith.mulf %mul3A_278, %add3A_276 : vector<1280x2048xf32>
    %mul3A_280 = arith.mulf %add3A_276, %add3A_276 : vector<1280x2048xf32>
    %mul3A_281 = arith.constant 0.0356774069 : f32
    %mul3A_282 = vector.broadcast %mul3A_281 : f32 to vector<1280x2048xf32>
    %mul3A_283 = arith.mulf %mul3A_282, %mul3A_280 : vector<1280x2048xf32>
    %add3A_284 = arith.constant 0.797884583 : f32
    %add3A_285 = vector.broadcast %add3A_284 : f32 to vector<1280x2048xf32>
    %add3A_286 = arith.addf %add3A_285, %mul3A_283 : vector<1280x2048xf32>
    %mul3A_287 = arith.mulf %add3A_276, %add3A_286 : vector<1280x2048xf32>
    %tanh3A = math.tanh %mul3A_287 : vector<1280x2048xf32>
    %mul3A_288 = arith.mulf %mul3A_279, %tanh3A : vector<1280x2048xf32>
    %add3A_289 = arith.addf %mul3A_279, %mul3A_288 : vector<1280x2048xf32>
    %convert_element_type3A_290 = arith.truncf %add3A_289 : vector<1280x2048xf32> to vector<1280x2048xbf16>
    %get3A_291 = arith.constant 0 : index
    %get3A_292 = arith.constant 0 : index
    %get3A_293 = vector.load %arg23[%get3A_291, %get3A_292] : memref<2048x512xbf16, #tpu.memory_space<vmem>>, vector<2048x512xbf16>
    %dot_general3A_294 = arith.constant dense<0.000000e+00> : vector<1280x512xf32>
    %dot_general3A_295 = tpu.matmul %convert_element_type3A_290, %get3A_293, %dot_general3A_294 {dimension_numbers = #tpu.dot_dimension_numbers<[1], [0], [0], [1], [0, 0, 1, 1], [], []>, transpose_lhs_hint = false} : vector<1280x2048xbf16>, vector<2048x512xbf16>, vector<1280x512xf32> -> vector<1280x512xf32>
    %add3A_296 = arith.addf %add3A_232, %dot_general3A_295 : vector<1280x512xf32>
    %get3A_297 = arith.constant 0 : index
    %get3A_298 = arith.constant 0 : index
    %get3A_299 = vector.load %arg14[%get3A_297, %get3A_298] : memref<1x512xf32, #tpu.memory_space<vmem>>, vector<1x512xf32>
    %add3A_300 = vector.broadcast %get3A_299 : vector<1x512xf32> to vector<1280x512xf32>
    %add3A_301 = arith.addf %add3A_296, %add3A_300 : vector<1280x512xf32>
    %get3A_302 = arith.constant 0 : index
    %get3A_303 = arith.constant 0 : index
    %get3A_304 = vector.load %arg15[%get3A_302, %get3A_303] : memref<1x512xf32, #tpu.memory_space<vmem>>, vector<1x512xf32>
    %get3A_305 = arith.constant 0 : index
    %get3A_306 = arith.constant 0 : index
    %get3A_307 = vector.load %arg16[%get3A_305, %get3A_306] : memref<1x512xf32, #tpu.memory_space<vmem>>, vector<1x512xf32>
    %reduce_sum3A_308 = arith.constant dense<0.000000e+00> : vector<1280xf32>
    %reduce_sum3A_309 = vector.multi_reduction <add>, %add3A_301, %reduce_sum3A_308 [1] : vector<1280x512xf32> to vector<1280xf32>
    %broadcast_in_dim3A_310 = vector.shape_cast %reduce_sum3A_309 : vector<1280xf32> to vector<1280x1xf32>
    %div3A_311 = arith.constant 5.120000e+02 : f32
    %div3A_312 = vector.broadcast %div3A_311 : f32 to vector<1280x1xf32>
    %div3A_313 = arith.divf %broadcast_in_dim3A_310, %div3A_312 : vector<1280x1xf32>
    %sub3A_314 = vector.broadcast %div3A_313 : vector<1280x1xf32> to vector<1280x512xf32>
    %sub3A_315 = arith.subf %add3A_301, %sub3A_314 : vector<1280x512xf32>
    %integer_pow3A_316 = arith.mulf %sub3A_315, %sub3A_315 : vector<1280x512xf32>
    %reduce_sum3A_317 = arith.constant dense<0.000000e+00> : vector<1280xf32>
    %reduce_sum3A_318 = vector.multi_reduction <add>, %integer_pow3A_316, %reduce_sum3A_317 [1] : vector<1280x512xf32> to vector<1280xf32>
    %broadcast_in_dim3A_319 = vector.shape_cast %reduce_sum3A_318 : vector<1280xf32> to vector<1280x1xf32>
    %div3A_320 = arith.constant 5.120000e+02 : f32
    %div3A_321 = vector.broadcast %div3A_320 : f32 to vector<1280x1xf32>
    %div3A_322 = arith.divf %broadcast_in_dim3A_319, %div3A_321 : vector<1280x1xf32>
    %sub3A_323 = vector.broadcast %div3A_313 : vector<1280x1xf32> to vector<1280x512xf32>
    %sub3A_324 = arith.subf %add3A_301, %sub3A_323 : vector<1280x512xf32>
    %add3A_325 = arith.constant 9.99999974E-6 : f32
    %add3A_326 = vector.broadcast %add3A_325 : f32 to vector<1280x1xf32>
    %add3A_327 = arith.addf %div3A_322, %add3A_326 : vector<1280x1xf32>
    %rsqrt3A_328 = math.rsqrt %add3A_327 : vector<1280x1xf32>
    %mul3A_329 = vector.broadcast %rsqrt3A_328 : vector<1280x1xf32> to vector<1280x512xf32>
    %mul3A_330 = arith.mulf %sub3A_324, %mul3A_329 : vector<1280x512xf32>
    %mul3A_331 = vector.broadcast %get3A_304 : vector<1x512xf32> to vector<1280x512xf32>
    %mul3A_332 = arith.mulf %mul3A_330, %mul3A_331 : vector<1280x512xf32>
    %add3A_333 = vector.broadcast %get3A_307 : vector<1x512xf32> to vector<1280x512xf32>
    %add3A_334 = arith.addf %mul3A_332, %add3A_333 : vector<1280x512xf32>
    %convert_element_type3A_335 = arith.truncf %add3A_334 : vector<1280x512xf32> to vector<1280x512xbf16>
    %get3A_336 = arith.constant 0 : index
    %get3A_337 = arith.constant 0 : index
    %get3A_338 = vector.load %arg24[%get3A_336, %get3A_337] : memref<512x512xbf16, #tpu.memory_space<vmem>>, vector<512x512xbf16>
    %dot_general3A_339 = arith.constant dense<0.000000e+00> : vector<1280x512xf32>
    %dot_general3A_340 = tpu.matmul %convert_element_type3A_335, %get3A_338, %dot_general3A_339 {dimension_numbers = #tpu.dot_dimension_numbers<[1], [0], [0], [1], [0, 0, 1, 1], [], []>, transpose_lhs_hint = false} : vector<1280x512xbf16>, vector<512x512xbf16>, vector<1280x512xf32> -> vector<1280x512xf32>
    %get3A_341 = arith.constant 0 : index
    %get3A_342 = arith.constant 0 : index
    %get3A_343 = vector.load %arg18[%get3A_341, %get3A_342] : memref<1x512xf32, #tpu.memory_space<vmem>>, vector<1x512xf32>
    %add3A_344 = vector.broadcast %get3A_343 : vector<1x512xf32> to vector<1280x512xf32>
    %add3A_345 = arith.addf %dot_general3A_340, %add3A_344 : vector<1280x512xf32>
    %convert_element_type3A_346 = arith.truncf %add3A_345 : vector<1280x512xf32> to vector<1280x512xbf16>
    %swap3A = arith.constant 0 : index
    %swap3A_347 = arith.constant 0 : index
    %swap3A_348 = vector.load %arg19[%swap3A, %swap3A_347] : memref<1280x512xbf16, #tpu.memory_space<vmem>>, vector<1280x512xbf16>
    tpu.vector_store %arg19[%swap3A, %swap3A_347], %convert_element_type3A_346 {strides = array<i32>} : memref<1280x512xbf16, #tpu.memory_space<vmem>>, vector<1280x512xbf16>,
    return
  }
  func.func @transform_0(%arg0: i32) -> (i32, i32) {
    %c0_i32 = arith.constant 0 : i32
    %c0_i32_0 = arith.constant 0 : i32
    return %arg0, %c0_i32 : i32, i32
  }
  func.func @transform_1(%arg0: i32) -> (i32, i32) {
    %jit3A = arith.constant 1 : i32
    %eq3A = arith.constant 0 : i32
    %eq3A_0 = arith.cmpi eq, %jit3A, %eq3A : i32
    %jit3A_1 = arith.constant 1 : i32
    %select_n3A = arith.select %eq3A_0, %jit3A_1, %jit3A : i32
    %rem3A = arith.remsi %arg0, %select_n3A : i32
    %ne3A = arith.constant 0 : i32
    %ne3A_2 = arith.cmpi ne, %rem3A, %ne3A : i32
    %lt3A = arith.constant 0 : i32
    %lt3A_3 = arith.cmpi slt, %rem3A, %lt3A : i32
    %lt3A_4 = arith.constant 0 : i32
    %lt3A_5 = arith.cmpi slt, %select_n3A, %lt3A_4 : i32
    %ne3A_6 = arith.xori %lt3A_3, %lt3A_5 : i1
    %and3A = arith.andi %ne3A_6, %ne3A_2 : i1
    %add3A = arith.addi %rem3A, %select_n3A : i32
    %select_n3A_7 = arith.select %and3A, %add3A, %rem3A : i32
    %c0_i32 = arith.constant 0 : i32
    %c0_i32_8 = arith.constant 0 : i32
    return %select_n3A_7, %c0_i32 : i32, i32
  }
  func.func @transform_2(%arg0: i32) -> (i32, i32) {
    %c0_i32 = arith.constant 0 : i32
    %c0_i32_0 = arith.constant 0 : i32
    %c0_i32_1 = arith.constant 0 : i32
    return %c0_i32, %c0_i32_0 : i32, i32
  }
  func.func @transform_3(%arg0: i32) -> (i32, i32) {
    %c0_i32 = arith.constant 0 : i32
    %c0_i32_0 = arith.constant 0 : i32
    %c0_i32_1 = arith.constant 0 : i32
    return %c0_i32, %c0_i32_0 : i32, i32
  }
  func.func @transform_4(%arg0: i32) -> (i32, i32) {
    %c0_i32 = arith.constant 0 : i32
    %c0_i32_0 = arith.constant 0 : i32
    %c0_i32_1 = arith.constant 0 : i32
    return %c0_i32, %c0_i32_0 : i32, i32
  }
  func.func @transform_5(%arg0: i32) -> (i32, i32) {
    %c0_i32 = arith.constant 0 : i32
    %c0_i32_0 = arith.constant 0 : i32
    %c0_i32_1 = arith.constant 0 : i32
    return %c0_i32, %c0_i32_0 : i32, i32
  }
  func.func @transform_6(%arg0: i32) -> (i32, i32) {
    %c0_i32 = arith.constant 0 : i32
    %c0_i32_0 = arith.constant 0 : i32
    %c0_i32_1 = arith.constant 0 : i32
    return %c0_i32, %c0_i32_0 : i32, i32
  }
  func.func @transform_7(%arg0: i32) -> (i32, i32) {
    %c0_i32 = arith.constant 0 : i32
    %c0_i32_0 = arith.constant 0 : i32
    %c0_i32_1 = arith.constant 0 : i32
    return %c0_i32, %c0_i32_0 : i32, i32
  }
  func.func @transform_8(%arg0: i32) -> (i32, i32) {
    %c0_i32 = arith.constant 0 : i32
    %c0_i32_0 = arith.constant 0 : i32
    %c0_i32_1 = arith.constant 0 : i32
    return %c0_i32, %c0_i32_0 : i32, i32
  }
  func.func @transform_9(%arg0: i32) -> (i32, i32) {
    %c0_i32 = arith.constant 0 : i32
    %c0_i32_0 = arith.constant 0 : i32
    %c0_i32_1 = arith.constant 0 : i32
    return %c0_i32, %c0_i32_0 : i32, i32
  }
  func.func @transform_10(%arg0: i32) -> (i32, i32) {
    %c0_i32 = arith.constant 0 : i32
    %c0_i32_0 = arith.constant 0 : i32
    %c0_i32_1 = arith.constant 0 : i32
    return %c0_i32, %c0_i32_0 : i32, i32
  }
  func.func @transform_11(%arg0: i32) -> (i32, i32) {
    %c0_i32 = arith.constant 0 : i32
    %c0_i32_0 = arith.constant 0 : i32
    %c0_i32_1 = arith.constant 0 : i32
    return %c0_i32, %c0_i32_0 : i32, i32
  }
  func.func @transform_12(%arg0: i32) -> (i32, i32) {
    %c0_i32 = arith.constant 0 : i32
    %c0_i32_0 = arith.constant 0 : i32
    %c0_i32_1 = arith.constant 0 : i32
    return %c0_i32, %c0_i32_0 : i32, i32
  }
  func.func @transform_13(%arg0: i32) -> (i32, i32) {
    %c0_i32 = arith.constant 0 : i32
    %c0_i32_0 = arith.constant 0 : i32
    %c0_i32_1 = arith.constant 0 : i32
    return %c0_i32, %c0_i32_0 : i32, i32
  }
  func.func @transform_14(%arg0: i32) -> (i32, i32) {
    %c0_i32 = arith.constant 0 : i32
    %c0_i32_0 = arith.constant 0 : i32
    %c0_i32_1 = arith.constant 0 : i32
    return %c0_i32, %c0_i32_0 : i32, i32
  }
  func.func @transform_15(%arg0: i32) -> (i32, i32) {
    %c0_i32 = arith.constant 0 : i32
    %c0_i32_0 = arith.constant 0 : i32
    %c0_i32_1 = arith.constant 0 : i32
    return %c0_i32, %c0_i32_0 : i32, i32
  }
  func.func @transform_16(%arg0: i32) -> (i32, i32) {
    %c0_i32 = arith.constant 0 : i32
    %c0_i32_0 = arith.constant 0 : i32
    %c0_i32_1 = arith.constant 0 : i32
    return %c0_i32, %c0_i32_0 : i32, i32
  }
  func.func @transform_17(%arg0: i32) -> (i32, i32) {
    %c0_i32 = arith.constant 0 : i32
    %c0_i32_0 = arith.constant 0 : i32
    %c0_i32_1 = arith.constant 0 : i32
    return %c0_i32, %c0_i32_0 : i32, i32
  }
  func.func @transform_18(%arg0: i32) -> (i32, i32) {
    %c0_i32 = arith.constant 0 : i32
    %c0_i32_0 = arith.constant 0 : i32
    return %arg0, %c0_i32 : i32, i32
  }
}

module attributes {stable_mosaic.version = 14 : i64} {
  func.func @_squeeze_body(%arg0: i32, %arg1: memref<512x4096xbf16, #tpu.memory_space<vmem>>, %arg2: memref<4096x512xf32, #tpu.memory_space<vmem>>, %arg3: memref<1x512xf32, #tpu.memory_space<vmem>>, %arg4: memref<512x512xf32, #tpu.memory_space<vmem>>) attributes {dimension_semantics = [#tpu.dimension_semantics<arbitrary>], iteration_bounds = array<i64: 5>, scalar_prefetch = 0 : i64, scratch_operands = 0 : i64, tpu.core_type = #tpu.core_type<tc>, window_params = [{transform_indices = @transform_0, window_bounds = array<i64: 512, 4096>}, {transform_indices = @transform_1, window_bounds = array<i64: 4096, 512>}, {pipeline_mode = #tpu.pipeline_mode<synchronous>, transform_indices = @transform_2, window_bounds = array<i64: 1, 512>}, {pipeline_mode = #tpu.pipeline_mode<synchronous>, transform_indices = @transform_3, window_bounds = array<i64: 512, 512>}]} {
    %eq3A = arith.constant 0 : i32
    %eq3A_0 = arith.cmpi eq, %arg0, %eq3A : i32
    %convert_element_type3A = arith.extui %eq3A_0 : i1 to i32
    %cond3A = arith.constant 0 : i32
    %cond3A_1 = arith.cmpi ne, %convert_element_type3A, %cond3A : i32
    scf.if %cond3A_1 {
      %get3A_14 = arith.constant 0 : index
      %get3A_15 = arith.constant 0 : index
      %get3A_16 = vector.load %arg3[%get3A_14, %get3A_15] : memref<1x512xf32, #tpu.memory_space<vmem>>, vector<1x512xf32>
      %broadcast_in_dim3A = vector.shape_cast %get3A_16 : vector<1x512xf32> to vector<1x512xf32>
      %broadcast_in_dim3A_17 = vector.broadcast %broadcast_in_dim3A : vector<1x512xf32> to vector<512x512xf32>
      %swap3A_18 = arith.constant 0 : index
      %swap3A_19 = arith.constant 0 : index
      %swap3A_20 = vector.load %arg4[%swap3A_18, %swap3A_19] : memref<512x512xf32, #tpu.memory_space<vmem>>, vector<512x512xf32>
      tpu.vector_store %arg4[%swap3A_18, %swap3A_19], %broadcast_in_dim3A_17 {strides = array<i32>} : memref<512x512xf32, #tpu.memory_space<vmem>>, vector<512x512xf32>,
    } else {
    }
    %get3A = arith.constant 0 : index
    %get3A_2 = arith.constant 0 : index
    %get3A_3 = vector.load %arg4[%get3A, %get3A_2] : memref<512x512xf32, #tpu.memory_space<vmem>>, vector<512x512xf32>
    %get3A_4 = arith.constant 0 : index
    %get3A_5 = arith.constant 0 : index
    %get3A_6 = vector.load %arg1[%get3A_4, %get3A_5] : memref<512x4096xbf16, #tpu.memory_space<vmem>>, vector<512x4096xbf16>
    %convert_element_type3A_7 = arith.extf %get3A_6 : vector<512x4096xbf16> to vector<512x4096xf32>
    %get3A_8 = arith.constant 0 : index
    %get3A_9 = arith.constant 0 : index
    %get3A_10 = vector.load %arg2[%get3A_8, %get3A_9] : memref<4096x512xf32, #tpu.memory_space<vmem>>, vector<4096x512xf32>
    %dot_general3A = arith.constant dense<0.000000e+00> : vector<512x512xf32>
    %dot_general3A_11 = tpu.matmul %convert_element_type3A_7, %get3A_10, %dot_general3A {dimension_numbers = #tpu.dot_dimension_numbers<[1], [0], [0], [1], [0, 0, 1, 1], [], []>, transpose_lhs_hint = false} : vector<512x4096xf32>, vector<4096x512xf32>, vector<512x512xf32> -> vector<512x512xf32>
    %add3A = arith.addf %get3A_3, %dot_general3A_11 : vector<512x512xf32>
    %swap3A = arith.constant 0 : index
    %swap3A_12 = arith.constant 0 : index
    %swap3A_13 = vector.load %arg4[%swap3A, %swap3A_12] : memref<512x512xf32, #tpu.memory_space<vmem>>, vector<512x512xf32>
    tpu.vector_store %arg4[%swap3A, %swap3A_12], %add3A {strides = array<i32>} : memref<512x512xf32, #tpu.memory_space<vmem>>, vector<512x512xf32>,
    return
  }
  func.func @transform_0(%arg0: i32) -> (i32, i32) {
    %c0_i32 = arith.constant 0 : i32
    %c0_i32_0 = arith.constant 0 : i32
    return %c0_i32, %arg0 : i32, i32
  }
  func.func @transform_1(%arg0: i32) -> (i32, i32) {
    %c0_i32 = arith.constant 0 : i32
    %c0_i32_0 = arith.constant 0 : i32
    return %arg0, %c0_i32 : i32, i32
  }
  func.func @transform_2(%arg0: i32) -> (i32, i32) {
    %c0_i32 = arith.constant 0 : i32
    %c0_i32_0 = arith.constant 0 : i32
    %c0_i32_1 = arith.constant 0 : i32
    return %c0_i32, %c0_i32_0 : i32, i32
  }
  func.func @transform_3(%arg0: i32) -> (i32, i32) {
    %c0_i32 = arith.constant 0 : i32
    %c0_i32_0 = arith.constant 0 : i32
    %c0_i32_1 = arith.constant 0 : i32
    return %c0_i32, %c0_i32_0 : i32, i32
  }
}

</mosaic_0001>

<sc_bundles>
// kernel: kernel.5.cloned.1.call-start
scs
__scs_entry_jumppad:
0x0: {  	(pc) =	sbr.rel $0x88, $3  }
0x1: {  	(tag) =	ssettag $0x0;
	lr =	simm.s32 $0x1  }
0x2: {  	[smem:$0x3F8C] =	sst lr;
	_ =	strace $0xD0000000  }
0x3: {  	_ = 	snop  }
0x4: {  	_ = 	snop  }
0x5: {  	_ = 	snop  }
0x6: {  	_ = 	snop  }
0x7: {  	_ = 	snop  }
__scs_overlays_trampoline_lowered:
0x8: {  	[smem:$0x3F9B] =	sst s0  }
0x9: {  	[smem:$0x3F9C] =	sst s1  }
0xa: {  	[smem:$0x3F9D] =	sst s2  }
0xb: {  	[smem:$0x3F9E] =	sst s3  }
0xc: {  	[smem:$0x3F9F] =	sst s4  }
0xd: {  	[smem:$0x3FA0] =	sst s5  }
0xe: {  	[smem:$0x3FA1] =	sst s6  }
0xf: {  	[smem:$0x3FA2] =	sst s7  }
0x10: {  	[smem:$0x3FA3] =	sst s8  }
0x11: {  	[smem:$0x3FA4] =	sst s9;
	s0 =	simm.s32 @!p0 $0x0  }
0x12: {  	s1 =	sld [smem:$0x3F8A];
	s0 =	simm.s32 @p0 $0x1  }
0x13: {  	[smem:$0x3FA5] =	sst s0;
	s0 =	simm.s32 @!p1 $0x0  }
0x14: {  	s2 =	sld [smem:$0x3F89];
	s0 =	simm.s32 @p1 $0x1  }
0x15: {  	[smem:$0x3FA6] =	sst s0;
	s0 =	simm.s32 @!p2 $0x0  }
0x16: {  	s3 =	sld [smem:$0x3FDB];
	s0 =	simm.s32 @p2 $0x1  }
0x17: {  	s4 =	simm.s32 $0x1BF5;
	[smem:$0x3FA8] =	sst s0  }
0x18: {  	s0 =	sld [smem:$0x3F8B];
	_ =	swait.ge [sflag:s4], $0x0  }
0x19: {  	s7 =	sld [smem:$0x3F8C]  }
0x1a: {  	s8 =	sadd.s32 $0xFFFFE003, lr  }
0x1b: {  	s9 =	sadd.s32 $0xFFFFFEF7, lr;
	s5 =	simm.s32 $0xFFFFFFFF;
	p2 =	slt.u32 s8, $0xFFFFF086  }
0x1c: {  	p1 =	slt.u32 s9, $0xF7A;
	s5 =	simm.s32 @!p2 $0x0  }
0x1d: {  	s5 =	simm.s32 @p1 $0x1;
	p0 =	seq.s32 s7, s2  }
0x1e: {  	s7 =	smul.u32 @!p0 $0xF7A, s2;
	p2 =	seq.s32 @!p0 s5, $0x0  }
0x1f: {  	s9 =	smul.u32 $0xF7A, s1;
	s8 =	simm.s32 @!p0 $0x1BF5;
	p2 =	por !p2, p0  }
0x20: {  	[sflag:s8] =	ssyncset.s32 @!p0 $0xFFFFF086;
	s6 =	sadd.s32 @!p0 s3, s7;
	s7 =	simm.s32 @!p0 $0x108  }
0x21: {  	s3 =	sadd.s32 s3, s9;
	s6 =	sadd.s32 @!p0 $0x88, s6;
	s7 =	simm.s32 @p2 $0x1082  }
0x22: {  	[simem:s7], [sflag:s8] =	dma.local @!p0 [hbm:s6], $0xF7A  }
0x23: {  	s9 =	sor.u32 $0xD0000000, s2;
	s6 =	simm.s32 $0x108;
	_ =	swait.ge @!p0 [sflag:s8], $0x0  }
0x24: {  	s3 =	sadd.s32 $0x88, s3;
	s6 =	simm.s32 @!p1 $0x1082;
	[sflag:s4] =	ssyncset.s32 $0xFFFFF086  }
0x25: {  	[simem:s6], [sflag:s4] =	dma.local [hbm:s3], $0xF7A  }
0x26: {  	[smem:$0x3F8C] =	sst s1;
	(tag) =	ssettag s2;
	_ =	strace s9  }
0x27: {  	s1 =	sld [smem:$0x3F9C]  }
0x28: {  	s2 =	sld [smem:$0x3F9D]  }
0x29: {  	s4 =	sld [smem:$0x3F9F]  }
0x2a: {  	p0 =	seq.s32 s5, $0x0;
	s5 =	sld [smem:$0x3FA0]  }
0x2b: {  	s6 =	sld [smem:$0x3FA1]  }
0x2c: {  	s7 =	sld [smem:$0x3FA2]  }
0x2d: {  	s3 =	simm.s32 $0x108;
	s8 =	sld [smem:$0x3FA3]  }
0x2e: {  	s3 =	simm.s32 @!p0 $0x1082;
	s9 =	sld [smem:$0x3FA4]  }
0x2f: {  	lr =	sadd.s32 s0, s3;
	s0 =	sld [smem:$0x3F9B]  }
0x30: {  	s3 =	sld [smem:$0x3F9E]  }
0x31: {  	[smem:$0x3FA7] =	sst s10  }
0x32: {  	s10 =	sld [smem:$0x3FA5];
	_ =	sdelay $0x3  }
0x33: {  	p0 =	seq.s32 s10, $0x1;
	s10 =	sld [smem:$0x3FA7];
	_ =	sdelay $0x3  }
0x34: {  	[smem:$0x3FA7] =	sst s10  }
0x35: {  	s10 =	sld [smem:$0x3FA6];
	_ =	sdelay $0x3  }
0x36: {  	p1 =	seq.s32 s10, $0x1;
	s10 =	sld [smem:$0x3FA7];
	_ =	sdelay $0x3  }
0x37: {  	[smem:$0x3FA7] =	sst s10  }
0x38: {  	s10 =	sld [smem:$0x3FA8]  }
0x39: {  	_ = 	snop;
	(pc) =	sbr.ind lr, $3  }
0x3a: {  	_ = 	snop  }
0x3b: {  	_ = 	snop  }
0x3c: {  	p2 =	seq.s32 s10, $0x1;
	s10 =	sld [smem:$0x3FA7]  }
0x3d: {  	_ =	shalt  }
0x3e: {  	_ =	shalt  }
0x3f: {  	_ =	shalt  }
0x40: {  	_ =	shalt  }
0x41: {  	_ =	shalt  }
0x42: {  	_ =	shalt  }
0x43: {  	_ =	shalt  }
0x44: {  	_ =	shalt  }
0x45: {  	_ =	shalt  }
0x46: {  	_ =	shalt  }
0x47: {  	_ =	shalt  }
0x48: {  	_ =	shalt  }
0x49: {  	_ =	shalt  }
0x4a: {  	_ =	shalt  }
0x4b: {  	_ =	shalt  }
0x4c: {  	_ =	shalt  }
0x4d: {  	_ =	shalt  }
0x4e: {  	_ =	shalt  }
0x4f: {  	_ =	shalt  }
0x50: {  	_ =	shalt  }
0x51: {  	_ =	shalt  }
0x52: {  	_ =	shalt  }
0x53: {  	_ =	shalt  }
0x54: {  	_ =	shalt  }
0x55: {  	_ =	shalt  }
0x56: {  	_ =	shalt  }
0x57: {  	_ =	shalt  }
0x58: {  	_ =	shalt  }
0x59: {  	_ =	shalt  }
0x5a: {  	_ =	shalt  }
0x5b: {  	_ =	shalt  }
0x5c: {  	_ =	shalt  }
0x5d: {  	_ =	shalt  }
0x5e: {  	_ =	shalt  }
0x5f: {  	_ =	shalt  }
0x60: {  	_ =	shalt  }
0x61: {  	_ =	shalt  }
0x62: {  	_ =	shalt  }
0x63: {  	_ =	shalt  }
0x64: {  	_ =	shalt  }
0x65: {  	_ =	shalt  }
0x66: {  	_ =	shalt  }
0x67: {  	_ =	shalt  }
0x68: {  	_ =	shalt  }
0x69: {  	_ =	shalt  }
0x6a: {  	_ =	shalt  }
0x6b: {  	_ =	shalt  }
0x6c: {  	_ =	shalt  }
0x6d: {  	_ =	shalt  }
0x6e: {  	_ =	shalt  }
0x6f: {  	_ =	shalt  }
0x70: {  	_ =	shalt  }
0x71: {  	_ =	shalt  }
0x72: {  	_ =	shalt  }
0x73: {  	_ =	shalt  }
0x74: {  	_ =	shalt  }
0x75: {  	_ =	shalt  }
0x76: {  	_ =	shalt  }
0x77: {  	_ =	shalt  }
0x78: {  	_ =	shalt  }
0x79: {  	_ =	shalt  }
0x7a: {  	_ =	shalt  }
0x7b: {  	_ =	shalt  }
0x7c: {  	_ =	shalt  }
0x7d: {  	_ =	shalt  }
0x7e: {  	_ =	shalt  }
0x7f: {  	_ =	shalt  }
0x80: {  	_ =	shalt  }
0x81: {  	_ =	shalt  }
0x82: {  	_ =	shalt  }
0x83: {  	_ =	shalt  }
0x84: {  	_ =	shalt  }
0x85: {  	_ =	shalt  }
0x86: {  	_ =	shalt  }
0x87: {  	_ =	shalt  }
.Lfunc_end0:
.L_simem_size_0:
called_computation_lowered:
.L_overlay_start_0:
0x88: {  	s2 =	sld [smem:$0x3FD9]  }
0x89: {  	s3 =	sld [smem:$0x3FFE];
	_ =	sdelay $0x1  }
0x8a: {  	s1 =	srdreg.scid  }
0x8b: {  	s0 =	sand.u32 $0x1, s1  }
0x8c: {  	s17 =	sshll.u32 s0, $0xA;
	s2 =	sadd.s32 s3, s2  }
0x8d: {  	s2 =	sadd.s32 s2, s17  }
0x8e: {  	[smem:$0x3FB3] =	sst s2  }
0x8f: {  	_ = 	snop  }
0x90: {  	s2 =	sld [smem:$0x3FC8]  }
0x91: {  	s18 =	sld [smem:$0x3FD0];
	(tm) =	ssettm $0x1  }
0x92: {  	s4 =	sld [smem:$0x3FFB];
	_ =	sdelay $0x3  }
0x93: {  	_ =	strace s4  }
0x94: {  	s4 =	sld [smem:$0x3FFC];
	_ =	sdelay $0x3  }
0x95: {  	_ =	strace s4  }
0x96: {  	s4 =	sld [smem:$0x3FFD];
	_ =	sdelay $0x3  }
0x97: {  	_ =	strace s4  }
0x98: {  	_ =	strace $0x8FFFFFFF  }
0x99: {  	s19 =	sld [smem:$0x3FDB];
	_ =	sdelay $0x1  }
0x9a: {  	s5 =	simm.s32 $_scs_section_size  }
0x9b: {  	s6 =	simm.s32 $_size__tile_overlayer_lowered;
	s7 =	simm.s32 $_tile_overlayer_lowered  }
0x9c: {  	s22 =	simm.s32 $0x1BFF;
	s21 =	sshll.u32 s7, $0x1;
	s4 =	sadd.s32 s5, s19  }
0x9d: {  	s8 =	simm.s32 $0x0;
	s20 =	sshll.u32 s6, $0x1;
	s6 =	sadd.s32 s21, s4  }
0x9e: {  	[timem:s8], [sflag:s22] =	dma.local [hbm:s6], s20  }
0x9f: {  	_ =	swait.ge [sflag:s22], s20  }
0xa0: {  	s5 =	ssub.s32 $0x0, s20;
	[sflag:s22] =	ssyncset.done $0x0  }
0xa1: {  	[sflag:s22] =	ssyncadd.s32 s5;
	_ =	sdelay $0x1  }
0xa2: {  	s23 =	simm.s32 $0x1B8B  }
0xa3: {  	_ =	swait.ge [sflag:s23], $0x1  }
0xa4: {  	[sflag:s23] =	ssyncset.done $0x0  }
0xa5: {  	s25 =	simm.s32 $0x1B8E;
	s24 =	sld [smem:$0x3FFE];
	[sflag:s23] =	ssyncadd.s32 $0xFFFFFFFF  }
0xa6: {  	s26 =	simm.s32 $execute0_lowered;
	[smem:$0x3FD2] =	sst s25  }
0xa7: {  	s6 =	sshll.u32 s26, $0x1;
	_ =	strace $0x80000046;
	[dreg:$0x1] =	wrdreg $0xFFFFFFFF  }
0xa8: {  	s28 =	simm.s32 $_size_execute0_lowered;
	s4 =	sadd.s32 s4, s6;
	[dreg:$0x0] =	wrdreg $0x0  }
0xa9: {  	s6 =	sshll.u32 s28, $0x1;
	[dreg:$0x2] =	wrdreg s4  }
0xaa: {  	[dreg:$0x3] =	wrdreg s6  }
0xab: {  	[dreg:$0x4] =	wrdreg $0xC0  }
0xac: {  	_ =	task [dreg:s8], $0x5FFFF  }
0xad: {  	[dreg:$0x1] =	wrdreg $0xFFFFFFFF  }
0xae: {  	[dreg:$0x0] =	wrdreg $0x60  }
0xaf: {  	[dreg:$0x2] =	wrdreg s2  }
0xb0: {  	[dreg:$0x3] =	wrdreg s18  }
0xb1: {  	[dreg:$0x4] =	wrdreg s24  }
0xb2: {  	[dreg:$0x5] =	wrdreg $0x9  }
0xb3: {  	_ =	task.clear_ibuf [dreg:s8], $0x6FFFF;
	_ =	strace $0x90000046  }
0xb4: {  	s29 =	simm.s32 $0x9;
	_ =	strace $0x80000048  }
0xb5: {  	_ =	swait.ge [sflag:s29], $0x1  }
0xb6: {  	[sflag:s29] =	ssyncadd.s32 $0xFFFFFFFF  }
0xb7: {  	_ =	strace $0x90000048  }
0xb8: {  	_ =	sfence  }
0xb9: {  	s30 =	sld [smem:$0x0];
	_ =	sdelay $0x2  }
0xba: {  	s31 =	sshll.u32 s1, $0xD;
	s1 =	sshrl.u32 s1, $0x2  }
0xbb: {  	s3 =	sand.u32 $0x4000, s31;
	s1 =	sadd.s32 s1, s30  }
0xbc: {  	s0 =	sor.u32 s3, s0;
	s1 =	sshll.u32 s1, $0x11  }
0xbd: {  	s0 =	sor.u32 s1, s0  }
0xbe: {  	s0 =	sadd.s32 $0x8F2B, s0  }
0xbf: {  	[sflag:s0] =	ssyncadd.remote.s32 $0x1  }
0xc0: {  	_ =	sfence.sel $0xFFFF  }
0xc1: {  	[dreg:$0x0] =	wrdreg $0xFFFFFFFF;
	(pc) =	sbr.abs _section_cstart, $3  }
0xc2: {  	[dreg:$0x1] =	wrdreg $0xFFFFFFFF  }
0xc3: {  	_ =	task.clear_ibuf [dreg:s8], $0x2FFFF;
	_ =	strace $0x9FFFFFFF  }
0xc4: {  	(tm) =	ssettm $0x7FFFFFFF  }
0xc5: {  	_ =	shalt  }
tec
execute0_lowered:
.L_overlay_start_1:
0x0: {  	(tag) =	ssettag $0x1  }
0x1: {  	s1 =	rddreg [dreg:$0x0]  }
0x2: {  	s0 =	srdreg.scid;
	s4 =	rddreg [dreg:$0x1]  }
0x3: {  	s2 =	stileid.u32;
	s5 =	rddreg [dreg:$0x2]  }
0x4: {  	s3 =	simm.s32 $0x0;
	s28 =	simm.s32 $0x5;
	s29 =	simm.s32 $0x14280  }
0x5: {  	s8 =	simm.s32 $0x16280;
	s9 =	simm.s32 $0x16A80;
	s10 =	simm.s32 $0x17280  }
0x6: {  	s11 =	simm.s32 $0x17A80;
	s12 =	simm.s32 $0x18280;
	s13 =	simm.s32 $0x18A80  }
0x7: {  	s14 =	simm.s32 $0x19280;
	s0 =	sand.u32 $0x1, s0;
	s2 =	sshll.u32 s2, $0x1  }
0x8: {  	s15 =	simm.s32 $0x19A80;
	s16 =	simm.s32 $0x1A280;
	s2 =	sor.u32 s0, s2  }
0x9: {  	s17 =	simm.s32 $0x1AA80;
	s18 =	simm.s32 $0x1B280;
	s6 =	smul.u32 $0x50, s2  }
0xa: {  	s19 =	simm.s32 $0x1BA80;
	s30 =	simm.s32 $0x1DA80;
	s7 =	smul.u32 $0xA000, s2  }
0xb: {  	[smem:$0x7FF] =	sst s3;
	s5 =	sadd.s32 $0x2A00, s5;
	s2 =	smul.u32 $0x50000, s2  }
0xc: {  	_ =	strace $0x80000047;
	s0 =	ssub.s32 $0x2, s0;
	s4 =	sadd.s32 s4, s6  }
0xd: {  	s20 =	sadd.s32 s5, s7;
	s2 =	sshrl.u32 s2, $0x3;
	[dreg:$0x4] =	wrdreg s4  }
0xe: {  	[dreg:$0xc] =	wrdreg s20;
	s21 =	sadd.s32 $0x1400, s20;
	s2 =	sadd.s32 s5, s2  }
0xf: {  	s25 =	sshrl.u32 s0, $0x1;
	[dreg:$0x5] =	wrdreg s21;
	s22 =	sadd.s32 $0x2800, s2  }
0x10: {  	s0 =	ssub.s32 s0, s25;
	s23 =	sadd.s32 $0x3C00, s2;
	[dreg:$0x6] =	wrdreg s22  }
0x11: {  	s25 =	simm.s32 $0x4;
	s24 =	sadd.s32 $0x5000, s2;
	[dreg:$0x7] =	wrdreg s23  }
0x12: {  	s6 =	smax.u32 s0, $0x1;
	s26 =	sadd.s32 $0x6400, s2;
	[dreg:$0x8] =	wrdreg s24  }
0x13: {  	s5 =	sadd.s32 $0x100, s1;
	s31 =	sadd.s32 $0x7800, s2;
	[dreg:$0x9] =	wrdreg s26  }
0x14: {  	v2 =	vlaneseq.u32;
	s20 =	simm.s32 $0x1C280;
	s2 =	sadd.s32 $0x8C00, s2;
	[dreg:$0xa] =	wrdreg s31  }
0x15: {  	vm0 =	vmmov $0xffff;
	v1 =	vshrl.u32 v2, $0x3;
	s21 =	simm.s32 $0x1CA80;
	[dreg:$0xb] =	wrdreg s2;
	s22 =	simm.s32 $0x1  }
0x16: {  	v0 =	vand.u32 $0x7, v2;
	v2 =	vor.u32 $0x8, v2;
	v1 =	vmul.u32 $0x8, v1;
	s24 =	simm.s32 $0x2;
	s26 =	simm.s32 $0xA280;
	s23 =	simm.s32 $0x1D280  }
.LBB2_1:
0x17: {  	s31 =	rddreg [dreg:$0x4];
	s7 =	simm.s32 $0x7  }
0x18: {  	[tilespmem:s3], [sflag:$0x7] =	stream.linear.gather [hbm4b:s31+s3], $0x280, $0x38;
	[tilespmem:$0x1E280] =	vst v63  }
0x19: {  	_ =	swait.ge [sflag:s7], $0x280  }
0x1a: {  	[sflag:s7] =	ssyncset.done $0x0  }
0x1b: {  	[sflag:s7] =	ssyncadd.s32 $0xFFFFFD80  }
0x1c: {  	v3 =	vld [tilespmem:$0x0];
	_ =	sdelay $0x4  }
0x1d: {  	v4 =	vshll.u32 v3, $0x2  }
0x1e: {  	v3 =	vand.u32 $0x7, v3;
	v4 =	vand.u32 $0xFFFFFFE0, v4  }
0x1f: {  	v3 =	vor.u32 v3, v4  }
0x20: {  	v4 =	vperm.xlane v3, v0;
	_ =	sdelay $0x1  }
0x21: {  	v4 =	vadd.s32 v1, v4;
	_ =	sdelay $0x1  }
0x22: {  	v3 =	vperm.xlane v3, v2;
	_ =	sdelay $0x1  }
0x23: {  	s0 =	simm.s32 $0x280;
	v3 =	vadd.s32 v1, v3  }
0x24: {  	[tilespmem:s0], [sflag:$0x1] =	stream.indirect_vreg.gather [hbm4b:s1+s3], $0x80, v4, vm0, $0xb8;
	[tilespmem:$0x1E280] =	vst v63  }
0x25: {  	s2 =	simm.s32 $0xA80  }
0x26: {  	[tilespmem:s2], [sflag:$0x1] =	stream.indirect_vreg.gather [hbm4b:s5+s3], $0x80, v4, vm0, $0xb8;
	[tilespmem:$0x1E280] =	vst v63  }
0x27: {  	s31 =	simm.s32 $0x1280  }
0x28: {  	[tilespmem:s31], [sflag:$0x1] =	stream.indirect_vreg.gather [hbm4b:s1+s3], $0x80, v3, vm0, $0xb8;
	[tilespmem:$0x1E280] =	vst v63  }
0x29: {  	s4 =	simm.s32 $0x1A80  }
0x2a: {  	[tilespmem:s4], [sflag:$0x1] =	stream.indirect_vreg.gather [hbm4b:s5+s3], $0x80, v3, vm0, $0xb8;
	[tilespmem:$0x1E280] =	vst v63  }
0x2b: {  	v3 =	vld [tilespmem:$0x10];
	_ =	sdelay $0x4  }
0x2c: {  	v25 =	vshll.u32 v3, $0x2  }
0x2d: {  	v3 =	vand.u32 $0x7, v3;
	v4 =	vand.u32 $0xFFFFFFE0, v25  }
0x2e: {  	v3 =	vor.u32 v3, v4  }
0x2f: {  	v4 =	vperm.xlane v3, v0;
	_ =	sdelay $0x1  }
0x30: {  	v4 =	vadd.s32 v1, v4;
	_ =	sdelay $0x1  }
0x31: {  	v3 =	vperm.xlane v3, v2;
	_ =	sdelay $0x1  }
0x32: {  	s7 =	simm.s32 $0x2280;
	v3 =	vadd.s32 v1, v3  }
0x33: {  	[tilespmem:s7], [sflag:$0x1] =	stream.indirect_vreg.gather [hbm4b:s1+s3], $0x80, v4, vm0, $0xb8;
	[tilespmem:$0x1E280] =	vst v63  }
0x34: {  	s31 =	simm.s32 $0x2A80  }
0x35: {  	[tilespmem:s31], [sflag:$0x1] =	stream.indirect_vreg.gather [hbm4b:s5+s3], $0x80, v4, vm0, $0xb8;
	[tilespmem:$0x1E280] =	vst v63  }
0x36: {  	s4 =	simm.s32 $0x3280  }
0x37: {  	[tilespmem:s4], [sflag:$0x1] =	stream.indirect_vreg.gather [hbm4b:s1+s3], $0x80, v3, vm0, $0xb8;
	[tilespmem:$0x1E280] =	vst v63  }
0x38: {  	s7 =	simm.s32 $0x3A80  }
0x39: {  	[tilespmem:s7], [sflag:$0x1] =	stream.indirect_vreg.gather [hbm4b:s5+s3], $0x80, v3, vm0, $0xb8;
	[tilespmem:$0x1E280] =	vst v63  }
0x3a: {  	v3 =	vld [tilespmem:$0x20];
	_ =	sdelay $0x4  }
0x3b: {  	v26 =	vshll.u32 v3, $0x2  }
0x3c: {  	v3 =	vand.u32 $0x7, v3;
	v4 =	vand.u32 $0xFFFFFFE0, v26  }
0x3d: {  	v3 =	vor.u32 v3, v4  }
0x3e: {  	v4 =	vperm.xlane v3, v0;
	_ =	sdelay $0x1  }
0x3f: {  	v4 =	vadd.s32 v1, v4;
	_ =	sdelay $0x1  }
0x40: {  	v3 =	vperm.xlane v3, v2;
	_ =	sdelay $0x1  }
0x41: {  	s31 =	simm.s32 $0x4280;
	v3 =	vadd.s32 v1, v3  }
0x42: {  	[tilespmem:s31], [sflag:$0x1] =	stream.indirect_vreg.gather [hbm4b:s1+s3], $0x80, v4, vm0, $0xb8;
	[tilespmem:$0x1E280] =	vst v63  }
0x43: {  	s4 =	simm.s32 $0x4A80  }
0x44: {  	[tilespmem:s4], [sflag:$0x1] =	stream.indirect_vreg.gather [hbm4b:s5+s3], $0x80, v4, vm0, $0xb8;
	[tilespmem:$0x1E280] =	vst v63  }
0x45: {  	s7 =	simm.s32 $0x5280  }
0x46: {  	[tilespmem:s7], [sflag:$0x1] =	stream.indirect_vreg.gather [hbm4b:s1+s3], $0x80, v3, vm0, $0xb8;
	[tilespmem:$0x1E280] =	vst v63  }
0x47: {  	s31 =	simm.s32 $0x5A80  }
0x48: {  	[tilespmem:s31], [sflag:$0x1] =	stream.indirect_vreg.gather [hbm4b:s5+s3], $0x80, v3, vm0, $0xb8;
	[tilespmem:$0x1E280] =	vst v63  }
0x49: {  	v3 =	vld [tilespmem:$0x30];
	_ =	sdelay $0x4  }
0x4a: {  	v27 =	vshll.u32 v3, $0x2  }
0x4b: {  	v3 =	vand.u32 $0x7, v3;
	v4 =	vand.u32 $0xFFFFFFE0, v27  }
0x4c: {  	v3 =	vor.u32 v3, v4  }
0x4d: {  	v4 =	vperm.xlane v3, v0;
	_ =	sdelay $0x1  }
0x4e: {  	v4 =	vadd.s32 v1, v4;
	_ =	sdelay $0x1  }
0x4f: {  	v3 =	vperm.xlane v3, v2;
	_ =	sdelay $0x1  }
0x50: {  	s4 =	simm.s32 $0x6280;
	v3 =	vadd.s32 v1, v3  }
0x51: {  	[tilespmem:s4], [sflag:$0x1] =	stream.indirect_vreg.gather [hbm4b:s1+s3], $0x80, v4, vm0, $0xb8;
	[tilespmem:$0x1E280] =	vst v63  }
0x52: {  	s7 =	simm.s32 $0x6A80  }
0x53: {  	[tilespmem:s7], [sflag:$0x1] =	stream.indirect_vreg.gather [hbm4b:s5+s3], $0x80, v4, vm0, $0xb8;
	[tilespmem:$0x1E280] =	vst v63  }
0x54: {  	s31 =	simm.s32 $0x7280  }
0x55: {  	[tilespmem:s31], [sflag:$0x1] =	stream.indirect_vreg.gather [hbm4b:s1+s3], $0x80, v3, vm0, $0xb8;
	[tilespmem:$0x1E280] =	vst v63  }
0x56: {  	s4 =	simm.s32 $0x7A80  }
0x57: {  	[tilespmem:s4], [sflag:$0x1] =	stream.indirect_vreg.gather [hbm4b:s5+s3], $0x80, v3, vm0, $0xb8;
	[tilespmem:$0x1E280] =	vst v63  }
0x58: {  	v3 =	vld [tilespmem:$0x40];
	_ =	sdelay $0x4  }
0x59: {  	v28 =	vshll.u32 v3, $0x2  }
0x5a: {  	v3 =	vand.u32 $0x7, v3;
	v4 =	vand.u32 $0xFFFFFFE0, v28  }
0x5b: {  	v3 =	vor.u32 v3, v4  }
0x5c: {  	v4 =	vperm.xlane v3, v0;
	_ =	sdelay $0x1  }
0x5d: {  	v4 =	vadd.s32 v1, v4;
	_ =	sdelay $0x1  }
0x5e: {  	v3 =	vperm.xlane v3, v2;
	_ =	sdelay $0x1  }
0x5f: {  	s7 =	simm.s32 $0x8280;
	v3 =	vadd.s32 v1, v3  }
0x60: {  	[tilespmem:s7], [sflag:$0x1] =	stream.indirect_vreg.gather [hbm4b:s1+s3], $0x80, v4, vm0, $0xb8;
	[tilespmem:$0x1E280] =	vst v63  }
0x61: {  	s31 =	simm.s32 $0x8A80  }
0x62: {  	[tilespmem:s31], [sflag:$0x1] =	stream.indirect_vreg.gather [hbm4b:s5+s3], $0x80, v4, vm0, $0xb8;
	[tilespmem:$0x1E280] =	vst v63  }
0x63: {  	s4 =	simm.s32 $0x9280  }
0x64: {  	[tilespmem:s4], [sflag:$0x1] =	stream.indirect_vreg.gather [hbm4b:s1+s3], $0x80, v3, vm0, $0xb8;
	[tilespmem:$0x1E280] =	vst v63  }
0x65: {  	s7 =	simm.s32 $0x9A80  }
0x66: {  	[tilespmem:s7], [sflag:$0x1] =	stream.indirect_vreg.gather [hbm4b:s5+s3], $0x80, v3, vm0, $0xb8;
	[tilespmem:$0x1E280] =	vst v63  }
0x67: {  	v3 =	vld [tilespmem:$0x50];
	_ =	sdelay $0x4  }
0x68: {  	v29 =	vshll.u32 v3, $0x2  }
0x69: {  	v3 =	vand.u32 $0x7, v3;
	v4 =	vand.u32 $0xFFFFFFE0, v29  }
0x6a: {  	v3 =	vor.u32 v3, v4  }
0x6b: {  	v4 =	vperm.xlane v3, v0;
	_ =	sdelay $0x1  }
0x6c: {  	v4 =	vadd.s32 v1, v4;
	_ =	sdelay $0x1  }
0x6d: {  	v3 =	vperm.xlane v3, v2;
	_ =	sdelay $0x1  }
0x6e: {  	v3 =	vadd.s32 v1, v3  }
0x6f: {  	[tilespmem:s26], [sflag:$0x2] =	stream.indirect_vreg.gather [hbm4b:s1+s3], $0x80, v4, vm0, $0xb8;
	[tilespmem:$0x1E280] =	vst v63  }
0x70: {  	s31 =	simm.s32 $0xAA80  }
0x71: {  	[tilespmem:s31], [sflag:$0x2] =	stream.indirect_vreg.gather [hbm4b:s5+s3], $0x80, v4, vm0, $0xb8;
	[tilespmem:$0x1E280] =	vst v63  }
0x72: {  	s4 =	simm.s32 $0xB280  }
0x73: {  	[tilespmem:s4], [sflag:$0x2] =	stream.indirect_vreg.gather [hbm4b:s1+s3], $0x80, v3, vm0, $0xb8;
	[tilespmem:$0x1E280] =	vst v63  }
0x74: {  	s7 =	simm.s32 $0xBA80  }
0x75: {  	[tilespmem:s7], [sflag:$0x2] =	stream.indirect_vreg.gather [hbm4b:s5+s3], $0x80, v3, vm0, $0xb8;
	[tilespmem:$0x1E280] =	vst v63  }
0x76: {  	v3 =	vld [tilespmem:$0x60];
	_ =	sdelay $0x4  }
0x77: {  	v30 =	vshll.u32 v3, $0x2  }
0x78: {  	v3 =	vand.u32 $0x7, v3;
	v4 =	vand.u32 $0xFFFFFFE0, v30  }
0x79: {  	v3 =	vor.u32 v3, v4  }
0x7a: {  	v4 =	vperm.xlane v3, v0;
	_ =	sdelay $0x1  }
0x7b: {  	v4 =	vadd.s32 v1, v4;
	_ =	sdelay $0x1  }
0x7c: {  	v3 =	vperm.xlane v3, v2;
	_ =	sdelay $0x1  }
0x7d: {  	s31 =	simm.s32 $0xC280;
	v3 =	vadd.s32 v1, v3  }
0x7e: {  	[tilespmem:s31], [sflag:$0x2] =	stream.indirect_vreg.gather [hbm4b:s1+s3], $0x80, v4, vm0, $0xb8;
	[tilespmem:$0x1E280] =	vst v63  }
0x7f: {  	s4 =	simm.s32 $0xCA80  }
0x80: {  	[tilespmem:s4], [sflag:$0x2] =	stream.indirect_vreg.gather [hbm4b:s5+s3], $0x80, v4, vm0, $0xb8;
	[tilespmem:$0x1E280] =	vst v63  }
0x81: {  	s7 =	simm.s32 $0xD280  }
0x82: {  	[tilespmem:s7], [sflag:$0x2] =	stream.indirect_vreg.gather [hbm4b:s1+s3], $0x80, v3, vm0, $0xb8;
	[tilespmem:$0x1E280] =	vst v63  }
0x83: {  	s31 =	simm.s32 $0xDA80  }
0x84: {  	[tilespmem:s31], [sflag:$0x2] =	stream.indirect_vreg.gather [hbm4b:s5+s3], $0x80, v3, vm0, $0xb8;
	[tilespmem:$0x1E280] =	vst v63  }
0x85: {  	v3 =	vld [tilespmem:$0x70];
	_ =	sdelay $0x4  }
0x86: {  	v31 =	vshll.u32 v3, $0x2  }
0x87: {  	v3 =	vand.u32 $0x7, v3;
	v4 =	vand.u32 $0xFFFFFFE0, v31  }
0x88: {  	v3 =	vor.u32 v3, v4  }
0x89: {  	v4 =	vperm.xlane v3, v0;
	_ =	sdelay $0x1  }
0x8a: {  	v4 =	vadd.s32 v1, v4;
	_ =	sdelay $0x1  }
0x8b: {  	v3 =	vperm.xlane v3, v2;
	_ =	sdelay $0x1  }
0x8c: {  	s4 =	simm.s32 $0xE280;
	v3 =	vadd.s32 v1, v3  }
0x8d: {  	[tilespmem:s4], [sflag:$0x2] =	stream.indirect_vreg.gather [hbm4b:s1+s3], $0x80, v4, vm0, $0xb8;
	[tilespmem:$0x1E280] =	vst v63  }
0x8e: {  	s7 =	simm.s32 $0xEA80  }
0x8f: {  	[tilespmem:s7], [sflag:$0x2] =	stream.indirect_vreg.gather [hbm4b:s5+s3], $0x80, v4, vm0, $0xb8;
	[tilespmem:$0x1E280] =	vst v63  }
0x90: {  	s31 =	simm.s32 $0xF280  }
0x91: {  	[tilespmem:s31], [sflag:$0x2] =	stream.indirect_vreg.gather [hbm4b:s1+s3], $0x80, v3, vm0, $0xb8;
	[tilespmem:$0x1E280] =	vst v63  }
0x92: {  	s4 =	simm.s32 $0xFA80  }
0x93: {  	[tilespmem:s4], [sflag:$0x2] =	stream.indirect_vreg.gather [hbm4b:s5+s3], $0x80, v3, vm0, $0xb8;
	[tilespmem:$0x1E280] =	vst v63  }
0x94: {  	v3 =	vld [tilespmem:$0x80];
	_ =	sdelay $0x4  }
0x95: {  	v32 =	vshll.u32 v3, $0x2  }
0x96: {  	v3 =	vand.u32 $0x7, v3;
	v4 =	vand.u32 $0xFFFFFFE0, v32  }
0x97: {  	v3 =	vor.u32 v3, v4  }
0x98: {  	v4 =	vperm.xlane v3, v0;
	_ =	sdelay $0x1  }
0x99: {  	v4 =	vadd.s32 v1, v4;
	_ =	sdelay $0x1  }
0x9a: {  	v3 =	vperm.xlane v3, v2;
	_ =	sdelay $0x1  }
0x9b: {  	s7 =	simm.s32 $0x10280;
	v3 =	vadd.s32 v1, v3  }
0x9c: {  	[tilespmem:s7], [sflag:$0x2] =	stream.indirect_vreg.gather [hbm4b:s1+s3], $0x80, v4, vm0, $0xb8;
	[tilespmem:$0x1E280] =	vst v63  }
0x9d: {  	s31 =	simm.s32 $0x10A80  }
0x9e: {  	[tilespmem:s31], [sflag:$0x2] =	stream.indirect_vreg.gather [hbm4b:s5+s3], $0x80, v4, vm0, $0xb8;
	[tilespmem:$0x1E280] =	vst v63  }
0x9f: {  	s4 =	simm.s32 $0x11280  }
0xa0: {  	[tilespmem:s4], [sflag:$0x2] =	stream.indirect_vreg.gather [hbm4b:s1+s3], $0x80, v3, vm0, $0xb8;
	[tilespmem:$0x1E280] =	vst v63  }
0xa1: {  	s7 =	simm.s32 $0x11A80  }
0xa2: {  	[tilespmem:s7], [sflag:$0x2] =	stream.indirect_vreg.gather [hbm4b:s5+s3], $0x80, v3, vm0, $0xb8;
	[tilespmem:$0x1E280] =	vst v63  }
0xa3: {  	v3 =	vld [tilespmem:$0x90];
	_ =	sdelay $0x4  }
0xa4: {  	v33 =	vshll.u32 v3, $0x2  }
0xa5: {  	v3 =	vand.u32 $0x7, v3;
	v4 =	vand.u32 $0xFFFFFFE0, v33  }
0xa6: {  	v3 =	vor.u32 v3, v4  }
0xa7: {  	v4 =	vperm.xlane v3, v0;
	_ =	sdelay $0x1  }
0xa8: {  	v4 =	vadd.s32 v1, v4;
	_ =	sdelay $0x1  }
0xa9: {  	v3 =	vperm.xlane v3, v2;
	_ =	sdelay $0x1  }
0xaa: {  	s31 =	simm.s32 $0x12280;
	v3 =	vadd.s32 v1, v3  }
0xab: {  	[tilespmem:s31], [sflag:$0x2] =	stream.indirect_vreg.gather [hbm4b:s1+s3], $0x80, v4, vm0, $0xb8;
	[tilespmem:$0x1E280] =	vst v63  }
0xac: {  	s4 =	simm.s32 $0x12A80  }
0xad: {  	[tilespmem:s4], [sflag:$0x2] =	stream.indirect_vreg.gather [hbm4b:s5+s3], $0x80, v4, vm0, $0xb8;
	[tilespmem:$0x1E280] =	vst v63  }
0xae: {  	s7 =	simm.s32 $0x13280  }
0xaf: {  	[tilespmem:s7], [sflag:$0x2] =	stream.indirect_vreg.gather [hbm4b:s1+s3], $0x80, v3, vm0, $0xb8;
	[tilespmem:$0x1E280] =	vst v63  }
0xb0: {  	s31 =	simm.s32 $0x13A80  }
0xb1: {  	[tilespmem:s31], [sflag:$0x2] =	stream.indirect_vreg.gather [hbm4b:s5+s3], $0x80, v3, vm0, $0xb8;
	[tilespmem:$0x1E280] =	vst v63  }
0xb2: {  	_ =	swait.ge [sflag:s22], $0xA000  }
0xb3: {  	[sflag:s22] =	ssyncset.done $0x0  }
0xb4: {  	s0 =	simm.s32 $0x280;
	s4 =	rddreg [dreg:$0xc];
	[sflag:s22] =	ssyncadd.s32 $0xFFFF6000  }
0xb5: {  	[hbm4b:s4+s3] =	stream.linear.scatter [tilespmem:s0], [sflag:$0x4], $0xA000, $0x38;
	[tilespmem:$0x1E280] =	vst v63  }
0xb6: {  	v3 =	vld [tilespmem:$0xA0];
	_ =	sdelay $0x4  }
0xb7: {  	v34 =	vshll.u32 v3, $0x2  }
0xb8: {  	v3 =	vand.u32 $0x7, v3;
	v4 =	vand.u32 $0xFFFFFFE0, v34  }
0xb9: {  	v3 =	vor.u32 v3, v4  }
0xba: {  	v4 =	vperm.xlane v3, v0;
	_ =	sdelay $0x1  }
0xbb: {  	v4 =	vadd.s32 v1, v4;
	_ =	sdelay $0x1  }
0xbc: {  	v3 =	vperm.xlane v3, v2;
	_ =	sdelay $0x1  }
0xbd: {  	v3 =	vadd.s32 v1, v3  }
0xbe: {  	[tilespmem:s29], [sflag:$0x3] =	stream.indirect_vreg.gather [hbm4b:s1+s3], $0x80, v4, vm0, $0xb8;
	[tilespmem:$0x1E280] =	vst v63  }
0xbf: {  	s7 =	simm.s32 $0x14A80  }
0xc0: {  	[tilespmem:s7], [sflag:$0x3] =	stream.indirect_vreg.gather [hbm4b:s5+s3], $0x80, v4, vm0, $0xb8;
	[tilespmem:$0x1E280] =	vst v63  }
0xc1: {  	s31 =	simm.s32 $0x15280  }
0xc2: {  	[tilespmem:s31], [sflag:$0x3] =	stream.indirect_vreg.gather [hbm4b:s1+s3], $0x80, v3, vm0, $0xb8;
	[tilespmem:$0x1E280] =	vst v63  }
0xc3: {  	s7 =	simm.s32 $0x15A80  }
0xc4: {  	[tilespmem:s7], [sflag:$0x3] =	stream.indirect_vreg.gather [hbm4b:s5+s3], $0x80, v3, vm0, $0xb8;
	[tilespmem:$0x1E280] =	vst v63  }
0xc5: {  	v3 =	vld [tilespmem:$0xB0];
	_ =	sdelay $0x4  }
0xc6: {  	v35 =	vshll.u32 v3, $0x2  }
0xc7: {  	v3 =	vand.u32 $0x7, v3;
	v4 =	vand.u32 $0xFFFFFFE0, v35  }
0xc8: {  	v3 =	vor.u32 v3, v4  }
0xc9: {  	v4 =	vperm.xlane v3, v0;
	_ =	sdelay $0x1  }
0xca: {  	v4 =	vadd.s32 v1, v4;
	_ =	sdelay $0x1  }
0xcb: {  	v3 =	vperm.xlane v3, v2;
	_ =	sdelay $0x1  }
0xcc: {  	v3 =	vadd.s32 v1, v3  }
0xcd: {  	[tilespmem:s8], [sflag:$0x3] =	stream.indirect_vreg.gather [hbm4b:s1+s3], $0x80, v4, vm0, $0xb8;
	[tilespmem:$0x1E280] =	vst v63  }
0xce: {  	_ = 	snop  }
0xcf: {  	[tilespmem:s9], [sflag:$0x3] =	stream.indirect_vreg.gather [hbm4b:s5+s3], $0x80, v4, vm0, $0xb8;
	[tilespmem:$0x1E280] =	vst v63  }
0xd0: {  	_ = 	snop  }
0xd1: {  	[tilespmem:s10], [sflag:$0x3] =	stream.indirect_vreg.gather [hbm4b:s1+s3], $0x80, v3, vm0, $0xb8;
	[tilespmem:$0x1E280] =	vst v63  }
0xd2: {  	_ = 	snop  }
0xd3: {  	[tilespmem:s11], [sflag:$0x3] =	stream.indirect_vreg.gather [hbm4b:s5+s3], $0x80, v3, vm0, $0xb8;
	[tilespmem:$0x1E280] =	vst v63  }
0xd4: {  	v3 =	vld [tilespmem:$0xC0];
	_ =	sdelay $0x4  }
0xd5: {  	v36 =	vshll.u32 v3, $0x2  }
0xd6: {  	v3 =	vand.u32 $0x7, v3;
	v4 =	vand.u32 $0xFFFFFFE0, v36  }
0xd7: {  	v3 =	vor.u32 v3, v4  }
0xd8: {  	v4 =	vperm.xlane v3, v0;
	_ =	sdelay $0x1  }
0xd9: {  	v4 =	vadd.s32 v1, v4;
	_ =	sdelay $0x1  }
0xda: {  	v3 =	vperm.xlane v3, v2;
	_ =	sdelay $0x1  }
0xdb: {  	v3 =	vadd.s32 v1, v3  }
0xdc: {  	[tilespmem:s12], [sflag:$0x3] =	stream.indirect_vreg.gather [hbm4b:s1+s3], $0x80, v4, vm0, $0xb8;
	[tilespmem:$0x1E280] =	vst v63  }
0xdd: {  	_ = 	snop  }
0xde: {  	[tilespmem:s13], [sflag:$0x3] =	stream.indirect_vreg.gather [hbm4b:s5+s3], $0x80, v4, vm0, $0xb8;
	[tilespmem:$0x1E280] =	vst v63  }
0xdf: {  	_ = 	snop  }
0xe0: {  	[tilespmem:s14], [sflag:$0x3] =	stream.indirect_vreg.gather [hbm4b:s1+s3], $0x80, v3, vm0, $0xb8;
	[tilespmem:$0x1E280] =	vst v63  }
0xe1: {  	_ = 	snop  }
0xe2: {  	[tilespmem:s15], [sflag:$0x3] =	stream.indirect_vreg.gather [hbm4b:s5+s3], $0x80, v3, vm0, $0xb8;
	[tilespmem:$0x1E280] =	vst v63  }
0xe3: {  	v3 =	vld [tilespmem:$0xD0];
	_ =	sdelay $0x4  }
0xe4: {  	v37 =	vshll.u32 v3, $0x2  }
0xe5: {  	v3 =	vand.u32 $0x7, v3;
	v4 =	vand.u32 $0xFFFFFFE0, v37  }
0xe6: {  	v3 =	vor.u32 v3, v4  }
0xe7: {  	v4 =	vperm.xlane v3, v0;
	_ =	sdelay $0x1  }
0xe8: {  	v4 =	vadd.s32 v1, v4;
	_ =	sdelay $0x1  }
0xe9: {  	v3 =	vperm.xlane v3, v2;
	_ =	sdelay $0x1  }
0xea: {  	v3 =	vadd.s32 v1, v3  }
0xeb: {  	[tilespmem:s16], [sflag:$0x3] =	stream.indirect_vreg.gather [hbm4b:s1+s3], $0x80, v4, vm0, $0xb8;
	[tilespmem:$0x1E280] =	vst v63  }
0xec: {  	_ = 	snop  }
0xed: {  	[tilespmem:s17], [sflag:$0x3] =	stream.indirect_vreg.gather [hbm4b:s5+s3], $0x80, v4, vm0, $0xb8;
	[tilespmem:$0x1E280] =	vst v63  }
0xee: {  	_ = 	snop  }
0xef: {  	[tilespmem:s18], [sflag:$0x3] =	stream.indirect_vreg.gather [hbm4b:s1+s3], $0x80, v3, vm0, $0xb8;
	[tilespmem:$0x1E280] =	vst v63  }
0xf0: {  	_ = 	snop  }
0xf1: {  	[tilespmem:s19], [sflag:$0x3] =	stream.indirect_vreg.gather [hbm4b:s5+s3], $0x80, v3, vm0, $0xb8;
	[tilespmem:$0x1E280] =	vst v63  }
0xf2: {  	v3 =	vld [tilespmem:$0xE0];
	_ =	sdelay $0x4  }
0xf3: {  	v38 =	vshll.u32 v3, $0x2  }
0xf4: {  	v3 =	vand.u32 $0x7, v3;
	v4 =	vand.u32 $0xFFFFFFE0, v38  }
0xf5: {  	v3 =	vor.u32 v3, v4  }
0xf6: {  	v4 =	vperm.xlane v3, v0;
	_ =	sdelay $0x1  }
0xf7: {  	v4 =	vadd.s32 v1, v4;
	_ =	sdelay $0x1  }
0xf8: {  	v3 =	vperm.xlane v3, v2;
	_ =	sdelay $0x1  }
0xf9: {  	v3 =	vadd.s32 v1, v3  }
0xfa: {  	[tilespmem:s20], [sflag:$0x3] =	stream.indirect_vreg.gather [hbm4b:s1+s3], $0x80, v4, vm0, $0xb8;
	[tilespmem:$0x1E280] =	vst v63  }
0xfb: {  	_ = 	snop  }
0xfc: {  	[tilespmem:s21], [sflag:$0x3] =	stream.indirect_vreg.gather [hbm4b:s5+s3], $0x80, v4, vm0, $0xb8;
	[tilespmem:$0x1E280] =	vst v63  }
0xfd: {  	_ = 	snop  }
0xfe: {  	[tilespmem:s23], [sflag:$0x3] =	stream.indirect_vreg.gather [hbm4b:s1+s3], $0x80, v3, vm0, $0xb8;
	[tilespmem:$0x1E280] =	vst v63  }
0xff: {  	_ = 	snop  }
0x100: {  	[tilespmem:s30], [sflag:$0x3] =	stream.indirect_vreg.gather [hbm4b:s5+s3], $0x80, v3, vm0, $0xb8;
	[tilespmem:$0x1E280] =	vst v63  }
0x101: {  	_ =	swait.ge [sflag:s24], $0xA000  }
0x102: {  	[sflag:s24] =	ssyncset.done $0x0  }
0x103: {  	s4 =	rddreg [dreg:$0x5];
	[sflag:s24] =	ssyncadd.s32 $0xFFFF6000  }
0x104: {  	[hbm4b:s4+s3] =	stream.linear.scatter [tilespmem:s26], [sflag:$0x5], $0xA000, $0x38;
	[tilespmem:$0x1E280] =	vst v63  }
0x105: {  	_ =	swait.ge [sflag:s25], $0xA000  }
0x106: {  	[sflag:s25] =	ssyncset.done $0x0  }
0x107: {  	[sflag:s25] =	ssyncadd.s32 $0xFFFF6000  }
0x108: {  	v3 =	vld [tilespmem:$0xF0];
	_ =	sdelay $0x4  }
0x109: {  	v39 =	vshll.u32 v3, $0x2  }
0x10a: {  	v3 =	vand.u32 $0x7, v3;
	v4 =	vand.u32 $0xFFFFFFE0, v39  }
0x10b: {  	v3 =	vor.u32 v3, v4  }
0x10c: {  	v4 =	vperm.xlane v3, v0;
	_ =	sdelay $0x1  }
0x10d: {  	v4 =	vadd.s32 v1, v4;
	_ =	sdelay $0x1  }
0x10e: {  	v3 =	vperm.xlane v3, v2;
	_ =	sdelay $0x1  }
0x10f: {  	s0 =	simm.s32 $0x280;
	v3 =	vadd.s32 v1, v3  }
0x110: {  	[tilespmem:s0], [sflag:$0x1] =	stream.indirect_vreg.gather [hbm4b:s1+s3], $0x80, v4, vm0, $0xb8;
	[tilespmem:$0x1E280] =	vst v63  }
0x111: {  	s2 =	simm.s32 $0xA80  }
0x112: {  	[tilespmem:s2], [sflag:$0x1] =	stream.indirect_vreg.gather [hbm4b:s5+s3], $0x80, v4, vm0, $0xb8;
	[tilespmem:$0x1E280] =	vst v63  }
0x113: {  	s4 =	simm.s32 $0x1280  }
0x114: {  	[tilespmem:s4], [sflag:$0x1] =	stream.indirect_vreg.gather [hbm4b:s1+s3], $0x80, v3, vm0, $0xb8;
	[tilespmem:$0x1E280] =	vst v63  }
0x115: {  	s31 =	simm.s32 $0x1A80  }
0x116: {  	[tilespmem:s31], [sflag:$0x1] =	stream.indirect_vreg.gather [hbm4b:s5+s3], $0x80, v3, vm0, $0xb8;
	[tilespmem:$0x1E280] =	vst v63  }
0x117: {  	v3 =	vld [tilespmem:$0x100];
	_ =	sdelay $0x4  }
0x118: {  	v40 =	vshll.u32 v3, $0x2  }
0x119: {  	v3 =	vand.u32 $0x7, v3;
	v4 =	vand.u32 $0xFFFFFFE0, v40  }
0x11a: {  	v3 =	vor.u32 v3, v4  }
0x11b: {  	v4 =	vperm.xlane v3, v0;
	_ =	sdelay $0x1  }
0x11c: {  	v4 =	vadd.s32 v1, v4;
	_ =	sdelay $0x1  }
0x11d: {  	v3 =	vperm.xlane v3, v2;
	_ =	sdelay $0x1  }
0x11e: {  	s2 =	simm.s32 $0x2280;
	v3 =	vadd.s32 v1, v3  }
0x11f: {  	[tilespmem:s2], [sflag:$0x1] =	stream.indirect_vreg.gather [hbm4b:s1+s3], $0x80, v4, vm0, $0xb8;
	[tilespmem:$0x1E280] =	vst v63  }
0x120: {  	s4 =	simm.s32 $0x2A80  }
0x121: {  	[tilespmem:s4], [sflag:$0x1] =	stream.indirect_vreg.gather [hbm4b:s5+s3], $0x80, v4, vm0, $0xb8;
	[tilespmem:$0x1E280] =	vst v63  }
0x122: {  	s31 =	simm.s32 $0x3280  }
0x123: {  	[tilespmem:s31], [sflag:$0x1] =	stream.indirect_vreg.gather [hbm4b:s1+s3], $0x80, v3, vm0, $0xb8;
	[tilespmem:$0x1E280] =	vst v63  }
0x124: {  	s2 =	simm.s32 $0x3A80  }
0x125: {  	[tilespmem:s2], [sflag:$0x1] =	stream.indirect_vreg.gather [hbm4b:s5+s3], $0x80, v3, vm0, $0xb8;
	[tilespmem:$0x1E280] =	vst v63  }
0x126: {  	v3 =	vld [tilespmem:$0x110];
	_ =	sdelay $0x4  }
0x127: {  	v41 =	vshll.u32 v3, $0x2  }
0x128: {  	v3 =	vand.u32 $0x7, v3;
	v4 =	vand.u32 $0xFFFFFFE0, v41  }
0x129: {  	v3 =	vor.u32 v3, v4  }
0x12a: {  	v4 =	vperm.xlane v3, v0;
	_ =	sdelay $0x1  }
0x12b: {  	v4 =	vadd.s32 v1, v4;
	_ =	sdelay $0x1  }
0x12c: {  	v3 =	vperm.xlane v3, v2;
	_ =	sdelay $0x1  }
0x12d: {  	s4 =	simm.s32 $0x4280;
	v3 =	vadd.s32 v1, v3  }
0x12e: {  	[tilespmem:s4], [sflag:$0x1] =	stream.indirect_vreg.gather [hbm4b:s1+s3], $0x80, v4, vm0, $0xb8;
	[tilespmem:$0x1E280] =	vst v63  }
0x12f: {  	s31 =	simm.s32 $0x4A80  }
0x130: {  	[tilespmem:s31], [sflag:$0x1] =	stream.indirect_vreg.gather [hbm4b:s5+s3], $0x80, v4, vm0, $0xb8;
	[tilespmem:$0x1E280] =	vst v63  }
0x131: {  	s2 =	simm.s32 $0x5280  }
0x132: {  	[tilespmem:s2], [sflag:$0x1] =	stream.indirect_vreg.gather [hbm4b:s1+s3], $0x80, v3, vm0, $0xb8;
	[tilespmem:$0x1E280] =	vst v63  }
0x133: {  	s4 =	simm.s32 $0x5A80  }
0x134: {  	[tilespmem:s4], [sflag:$0x1] =	stream.indirect_vreg.gather [hbm4b:s5+s3], $0x80, v3, vm0, $0xb8;
	[tilespmem:$0x1E280] =	vst v63  }
0x135: {  	v3 =	vld [tilespmem:$0x120];
	_ =	sdelay $0x4  }
0x136: {  	v42 =	vshll.u32 v3, $0x2  }
0x137: {  	v3 =	vand.u32 $0x7, v3;
	v4 =	vand.u32 $0xFFFFFFE0, v42  }
0x138: {  	v3 =	vor.u32 v3, v4  }
0x139: {  	v4 =	vperm.xlane v3, v0;
	_ =	sdelay $0x1  }
0x13a: {  	v4 =	vadd.s32 v1, v4;
	_ =	sdelay $0x1  }
0x13b: {  	v3 =	vperm.xlane v3, v2;
	_ =	sdelay $0x1  }
0x13c: {  	s31 =	simm.s32 $0x6280;
	v3 =	vadd.s32 v1, v3  }
0x13d: {  	[tilespmem:s31], [sflag:$0x1] =	stream.indirect_vreg.gather [hbm4b:s1+s3], $0x80, v4, vm0, $0xb8;
	[tilespmem:$0x1E280] =	vst v63  }
0x13e: {  	s2 =	simm.s32 $0x6A80  }
0x13f: {  	[tilespmem:s2], [sflag:$0x1] =	stream.indirect_vreg.gather [hbm4b:s5+s3], $0x80, v4, vm0, $0xb8;
	[tilespmem:$0x1E280] =	vst v63  }
0x140: {  	s4 =	simm.s32 $0x7280  }
0x141: {  	[tilespmem:s4], [sflag:$0x1] =	stream.indirect_vreg.gather [hbm4b:s1+s3], $0x80, v3, vm0, $0xb8;
	[tilespmem:$0x1E280] =	vst v63  }
0x142: {  	s31 =	simm.s32 $0x7A80  }
0x143: {  	[tilespmem:s31], [sflag:$0x1] =	stream.indirect_vreg.gather [hbm4b:s5+s3], $0x80, v3, vm0, $0xb8;
	[tilespmem:$0x1E280] =	vst v63  }
0x144: {  	v3 =	vld [tilespmem:$0x130];
	_ =	sdelay $0x4  }
0x145: {  	v43 =	vshll.u32 v3, $0x2  }
0x146: {  	v3 =	vand.u32 $0x7, v3;
	v4 =	vand.u32 $0xFFFFFFE0, v43  }
0x147: {  	v3 =	vor.u32 v3, v4  }
0x148: {  	v4 =	vperm.xlane v3, v0;
	_ =	sdelay $0x1  }
0x149: {  	v4 =	vadd.s32 v1, v4;
	_ =	sdelay $0x1  }
0x14a: {  	v3 =	vperm.xlane v3, v2;
	_ =	sdelay $0x1  }
0x14b: {  	s2 =	simm.s32 $0x8280;
	v3 =	vadd.s32 v1, v3  }
0x14c: {  	[tilespmem:s2], [sflag:$0x1] =	stream.indirect_vreg.gather [hbm4b:s1+s3], $0x80, v4, vm0, $0xb8;
	[tilespmem:$0x1E280] =	vst v63  }
0x14d: {  	s4 =	simm.s32 $0x8A80  }
0x14e: {  	[tilespmem:s4], [sflag:$0x1] =	stream.indirect_vreg.gather [hbm4b:s5+s3], $0x80, v4, vm0, $0xb8;
	[tilespmem:$0x1E280] =	vst v63  }
0x14f: {  	s31 =	simm.s32 $0x9280  }
0x150: {  	[tilespmem:s31], [sflag:$0x1] =	stream.indirect_vreg.gather [hbm4b:s1+s3], $0x80, v3, vm0, $0xb8;
	[tilespmem:$0x1E280] =	vst v63  }
0x151: {  	s0 =	simm.s32 $0x3;
	s2 =	simm.s32 $0x9A80  }
0x152: {  	[tilespmem:s2], [sflag:$0x1] =	stream.indirect_vreg.gather [hbm4b:s5+s3], $0x80, v3, vm0, $0xb8;
	[tilespmem:$0x1E280] =	vst v63  }
0x153: {  	_ =	swait.ge [sflag:s0], $0xA000  }
0x154: {  	[sflag:s0] =	ssyncset.done $0x0  }
0x155: {  	s4 =	rddreg [dreg:$0x6];
	[sflag:s0] =	ssyncadd.s32 $0xFFFF6000  }
0x156: {  	[hbm4b:s4+s3] =	stream.linear.scatter [tilespmem:s29], [sflag:$0x6], $0xA000, $0x38;
	[tilespmem:$0x1E280] =	vst v63  }
0x157: {  	_ =	swait.ge [sflag:s28], $0xA000  }
0x158: {  	[sflag:s28] =	ssyncset.done $0x0  }
0x159: {  	[sflag:s28] =	ssyncadd.s32 $0xFFFF6000  }
0x15a: {  	v3 =	vld [tilespmem:$0x140];
	_ =	sdelay $0x4  }
0x15b: {  	v44 =	vshll.u32 v3, $0x2  }
0x15c: {  	v3 =	vand.u32 $0x7, v3;
	v4 =	vand.u32 $0xFFFFFFE0, v44  }
0x15d: {  	v3 =	vor.u32 v3, v4  }
0x15e: {  	v4 =	vperm.xlane v3, v0;
	_ =	sdelay $0x1  }
0x15f: {  	v4 =	vadd.s32 v1, v4;
	_ =	sdelay $0x1  }
0x160: {  	v3 =	vperm.xlane v3, v2;
	_ =	sdelay $0x1  }
0x161: {  	v3 =	vadd.s32 v1, v3  }
0x162: {  	[tilespmem:s26], [sflag:$0x2] =	stream.indirect_vreg.gather [hbm4b:s1+s3], $0x80, v4, vm0, $0xb8;
	[tilespmem:$0x1E280] =	vst v63  }
0x163: {  	s31 =	simm.s32 $0xAA80  }
0x164: {  	[tilespmem:s31], [sflag:$0x2] =	stream.indirect_vreg.gather [hbm4b:s5+s3], $0x80, v4, vm0, $0xb8;
	[tilespmem:$0x1E280] =	vst v63  }
0x165: {  	s4 =	simm.s32 $0xB280  }
0x166: {  	[tilespmem:s4], [sflag:$0x2] =	stream.indirect_vreg.gather [hbm4b:s1+s3], $0x80, v3, vm0, $0xb8;
	[tilespmem:$0x1E280] =	vst v63  }
0x167: {  	s31 =	simm.s32 $0xBA80  }
0x168: {  	[tilespmem:s31], [sflag:$0x2] =	stream.indirect_vreg.gather [hbm4b:s5+s3], $0x80, v3, vm0, $0xb8;
	[tilespmem:$0x1E280] =	vst v63  }
0x169: {  	v3 =	vld [tilespmem:$0x150];
	_ =	sdelay $0x4  }
0x16a: {  	v45 =	vshll.u32 v3, $0x2  }
0x16b: {  	v3 =	vand.u32 $0x7, v3;
	v4 =	vand.u32 $0xFFFFFFE0, v45  }
0x16c: {  	v3 =	vor.u32 v3, v4  }
0x16d: {  	v4 =	vperm.xlane v3, v0;
	_ =	sdelay $0x1  }
0x16e: {  	v4 =	vadd.s32 v1, v4;
	_ =	sdelay $0x1  }
0x16f: {  	v3 =	vperm.xlane v3, v2;
	_ =	sdelay $0x1  }
0x170: {  	s4 =	simm.s32 $0xC280;
	v3 =	vadd.s32 v1, v3  }
0x171: {  	[tilespmem:s4], [sflag:$0x2] =	stream.indirect_vreg.gather [hbm4b:s1+s3], $0x80, v4, vm0, $0xb8;
	[tilespmem:$0x1E280] =	vst v63  }
0x172: {  	s31 =	simm.s32 $0xCA80  }
0x173: {  	[tilespmem:s31], [sflag:$0x2] =	stream.indirect_vreg.gather [hbm4b:s5+s3], $0x80, v4, vm0, $0xb8;
	[tilespmem:$0x1E280] =	vst v63  }
0x174: {  	s4 =	simm.s32 $0xD280  }
0x175: {  	[tilespmem:s4], [sflag:$0x2] =	stream.indirect_vreg.gather [hbm4b:s1+s3], $0x80, v3, vm0, $0xb8;
	[tilespmem:$0x1E280] =	vst v63  }
0x176: {  	s31 =	simm.s32 $0xDA80  }
0x177: {  	[tilespmem:s31], [sflag:$0x2] =	stream.indirect_vreg.gather [hbm4b:s5+s3], $0x80, v3, vm0, $0xb8;
	[tilespmem:$0x1E280] =	vst v63  }
0x178: {  	v3 =	vld [tilespmem:$0x160];
	_ =	sdelay $0x4  }
0x179: {  	v46 =	vshll.u32 v3, $0x2  }
0x17a: {  	v3 =	vand.u32 $0x7, v3;
	v4 =	vand.u32 $0xFFFFFFE0, v46  }
0x17b: {  	v3 =	vor.u32 v3, v4  }
0x17c: {  	v4 =	vperm.xlane v3, v0;
	_ =	sdelay $0x1  }
0x17d: {  	v4 =	vadd.s32 v1, v4;
	_ =	sdelay $0x1  }
0x17e: {  	v3 =	vperm.xlane v3, v2;
	_ =	sdelay $0x1  }
0x17f: {  	s4 =	simm.s32 $0xE280;
	v3 =	vadd.s32 v1, v3  }
0x180: {  	[tilespmem:s4], [sflag:$0x2] =	stream.indirect_vreg.gather [hbm4b:s1+s3], $0x80, v4, vm0, $0xb8;
	[tilespmem:$0x1E280] =	vst v63  }
0x181: {  	s31 =	simm.s32 $0xEA80  }
0x182: {  	[tilespmem:s31], [sflag:$0x2] =	stream.indirect_vreg.gather [hbm4b:s5+s3], $0x80, v4, vm0, $0xb8;
	[tilespmem:$0x1E280] =	vst v63  }
0x183: {  	s4 =	simm.s32 $0xF280  }
0x184: {  	[tilespmem:s4], [sflag:$0x2] =	stream.indirect_vreg.gather [hbm4b:s1+s3], $0x80, v3, vm0, $0xb8;
	[tilespmem:$0x1E280] =	vst v63  }
0x185: {  	s31 =	simm.s32 $0xFA80  }
0x186: {  	[tilespmem:s31], [sflag:$0x2] =	stream.indirect_vreg.gather [hbm4b:s5+s3], $0x80, v3, vm0, $0xb8;
	[tilespmem:$0x1E280] =	vst v63  }
0x187: {  	v3 =	vld [tilespmem:$0x170];
	_ =	sdelay $0x4  }
0x188: {  	v47 =	vshll.u32 v3, $0x2  }
0x189: {  	v3 =	vand.u32 $0x7, v3;
	v4 =	vand.u32 $0xFFFFFFE0, v47  }
0x18a: {  	v3 =	vor.u32 v3, v4  }
0x18b: {  	v4 =	vperm.xlane v3, v0;
	_ =	sdelay $0x1  }
0x18c: {  	v4 =	vadd.s32 v1, v4;
	_ =	sdelay $0x1  }
0x18d: {  	v3 =	vperm.xlane v3, v2;
	_ =	sdelay $0x1  }
0x18e: {  	s4 =	simm.s32 $0x10280;
	v3 =	vadd.s32 v1, v3  }
0x18f: {  	[tilespmem:s4], [sflag:$0x2] =	stream.indirect_vreg.gather [hbm4b:s1+s3], $0x80, v4, vm0, $0xb8;
	[tilespmem:$0x1E280] =	vst v63  }
0x190: {  	s31 =	simm.s32 $0x10A80  }
0x191: {  	[tilespmem:s31], [sflag:$0x2] =	stream.indirect_vreg.gather [hbm4b:s5+s3], $0x80, v4, vm0, $0xb8;
	[tilespmem:$0x1E280] =	vst v63  }
0x192: {  	s4 =	simm.s32 $0x11280  }
0x193: {  	[tilespmem:s4], [sflag:$0x2] =	stream.indirect_vreg.gather [hbm4b:s1+s3], $0x80, v3, vm0, $0xb8;
	[tilespmem:$0x1E280] =	vst v63  }
0x194: {  	s31 =	simm.s32 $0x11A80  }
0x195: {  	[tilespmem:s31], [sflag:$0x2] =	stream.indirect_vreg.gather [hbm4b:s5+s3], $0x80, v3, vm0, $0xb8;
	[tilespmem:$0x1E280] =	vst v63  }
0x196: {  	v3 =	vld [tilespmem:$0x180];
	_ =	sdelay $0x4  }
0x197: {  	v48 =	vshll.u32 v3, $0x2  }
0x198: {  	v3 =	vand.u32 $0x7, v3;
	v4 =	vand.u32 $0xFFFFFFE0, v48  }
0x199: {  	v3 =	vor.u32 v3, v4  }
0x19a: {  	v4 =	vperm.xlane v3, v0;
	_ =	sdelay $0x1  }
0x19b: {  	v4 =	vadd.s32 v1, v4;
	_ =	sdelay $0x1  }
0x19c: {  	v3 =	vperm.xlane v3, v2;
	_ =	sdelay $0x1  }
0x19d: {  	s4 =	simm.s32 $0x12280;
	v3 =	vadd.s32 v1, v3  }
0x19e: {  	[tilespmem:s4], [sflag:$0x2] =	stream.indirect_vreg.gather [hbm4b:s1+s3], $0x80, v4, vm0, $0xb8;
	[tilespmem:$0x1E280] =	vst v63  }
0x19f: {  	s31 =	simm.s32 $0x12A80  }
0x1a0: {  	[tilespmem:s31], [sflag:$0x2] =	stream.indirect_vreg.gather [hbm4b:s5+s3], $0x80, v4, vm0, $0xb8;
	[tilespmem:$0x1E280] =	vst v63  }
0x1a1: {  	s4 =	simm.s32 $0x13280  }
0x1a2: {  	[tilespmem:s4], [sflag:$0x2] =	stream.indirect_vreg.gather [hbm4b:s1+s3], $0x80, v3, vm0, $0xb8;
	[tilespmem:$0x1E280] =	vst v63  }
0x1a3: {  	s31 =	simm.s32 $0x13A80  }
0x1a4: {  	[tilespmem:s31], [sflag:$0x2] =	stream.indirect_vreg.gather [hbm4b:s5+s3], $0x80, v3, vm0, $0xb8;
	[tilespmem:$0x1E280] =	vst v63  }
0x1a5: {  	_ =	swait.ge [sflag:s22], $0xA000  }
0x1a6: {  	[sflag:s22] =	ssyncset.done $0x0  }
0x1a7: {  	s4 =	simm.s32 $0x280;
	s2 =	rddreg [dreg:$0x7];
	[sflag:s22] =	ssyncadd.s32 $0xFFFF6000  }
0x1a8: {  	[hbm4b:s2+s3] =	stream.linear.scatter [tilespmem:s4], [sflag:$0x4], $0xA000, $0x38;
	[tilespmem:$0x1E280] =	vst v63  }
0x1a9: {  	s2 =	simm.s32 $0x6  }
0x1aa: {  	_ =	swait.ge [sflag:s2], $0xA000  }
0x1ab: {  	[sflag:s2] =	ssyncset.done $0x0  }
0x1ac: {  	[sflag:s2] =	ssyncadd.s32 $0xFFFF6000  }
0x1ad: {  	v3 =	vld [tilespmem:$0x190];
	_ =	sdelay $0x4  }
0x1ae: {  	v49 =	vshll.u32 v3, $0x2  }
0x1af: {  	v3 =	vand.u32 $0x7, v3;
	v4 =	vand.u32 $0xFFFFFFE0, v49  }
0x1b0: {  	v3 =	vor.u32 v3, v4  }
0x1b1: {  	v4 =	vperm.xlane v3, v0;
	_ =	sdelay $0x1  }
0x1b2: {  	v4 =	vadd.s32 v1, v4;
	_ =	sdelay $0x1  }
0x1b3: {  	v3 =	vperm.xlane v3, v2;
	_ =	sdelay $0x1  }
0x1b4: {  	v3 =	vadd.s32 v1, v3  }
0x1b5: {  	[tilespmem:s29], [sflag:$0x3] =	stream.indirect_vreg.gather [hbm4b:s1+s3], $0x80, v4, vm0, $0xb8;
	[tilespmem:$0x1E280] =	vst v63  }
0x1b6: {  	s31 =	simm.s32 $0x14A80  }
0x1b7: {  	[tilespmem:s31], [sflag:$0x3] =	stream.indirect_vreg.gather [hbm4b:s5+s3], $0x80, v4, vm0, $0xb8;
	[tilespmem:$0x1E280] =	vst v63  }
0x1b8: {  	s31 =	simm.s32 $0x15280  }
0x1b9: {  	[tilespmem:s31], [sflag:$0x3] =	stream.indirect_vreg.gather [hbm4b:s1+s3], $0x80, v3, vm0, $0xb8;
	[tilespmem:$0x1E280] =	vst v63  }
0x1ba: {  	_ = 	snop  }
0x1bb: {  	[tilespmem:s7], [sflag:$0x3] =	stream.indirect_vreg.gather [hbm4b:s5+s3], $0x80, v3, vm0, $0xb8;
	[tilespmem:$0x1E280] =	vst v63  }
0x1bc: {  	v3 =	vld [tilespmem:$0x1A0];
	_ =	sdelay $0x4  }
0x1bd: {  	v50 =	vshll.u32 v3, $0x2  }
0x1be: {  	v3 =	vand.u32 $0x7, v3;
	v4 =	vand.u32 $0xFFFFFFE0, v50  }
0x1bf: {  	v3 =	vor.u32 v3, v4  }
0x1c0: {  	v4 =	vperm.xlane v3, v0;
	_ =	sdelay $0x1  }
0x1c1: {  	v4 =	vadd.s32 v1, v4;
	_ =	sdelay $0x1  }
0x1c2: {  	v3 =	vperm.xlane v3, v2;
	_ =	sdelay $0x1  }
0x1c3: {  	v3 =	vadd.s32 v1, v3  }
0x1c4: {  	[tilespmem:s8], [sflag:$0x3] =	stream.indirect_vreg.gather [hbm4b:s1+s3], $0x80, v4, vm0, $0xb8;
	[tilespmem:$0x1E280] =	vst v63  }
0x1c5: {  	_ = 	snop  }
0x1c6: {  	[tilespmem:s9], [sflag:$0x3] =	stream.indirect_vreg.gather [hbm4b:s5+s3], $0x80, v4, vm0, $0xb8;
	[tilespmem:$0x1E280] =	vst v63  }
0x1c7: {  	_ = 	snop  }
0x1c8: {  	[tilespmem:s10], [sflag:$0x3] =	stream.indirect_vreg.gather [hbm4b:s1+s3], $0x80, v3, vm0, $0xb8;
	[tilespmem:$0x1E280] =	vst v63  }
0x1c9: {  	_ = 	snop  }
0x1ca: {  	[tilespmem:s11], [sflag:$0x3] =	stream.indirect_vreg.gather [hbm4b:s5+s3], $0x80, v3, vm0, $0xb8;
	[tilespmem:$0x1E280] =	vst v63  }
0x1cb: {  	v3 =	vld [tilespmem:$0x1B0];
	_ =	sdelay $0x4  }
0x1cc: {  	v51 =	vshll.u32 v3, $0x2  }
0x1cd: {  	v3 =	vand.u32 $0x7, v3;
	v4 =	vand.u32 $0xFFFFFFE0, v51  }
0x1ce: {  	v3 =	vor.u32 v3, v4  }
0x1cf: {  	v4 =	vperm.xlane v3, v0;
	_ =	sdelay $0x1  }
0x1d0: {  	v4 =	vadd.s32 v1, v4;
	_ =	sdelay $0x1  }
0x1d1: {  	v3 =	vperm.xlane v3, v2;
	_ =	sdelay $0x1  }
0x1d2: {  	v3 =	vadd.s32 v1, v3  }
0x1d3: {  	[tilespmem:s12], [sflag:$0x3] =	stream.indirect_vreg.gather [hbm4b:s1+s3], $0x80, v4, vm0, $0xb8;
	[tilespmem:$0x1E280] =	vst v63  }
0x1d4: {  	_ = 	snop  }
0x1d5: {  	[tilespmem:s13], [sflag:$0x3] =	stream.indirect_vreg.gather [hbm4b:s5+s3], $0x80, v4, vm0, $0xb8;
	[tilespmem:$0x1E280] =	vst v63  }
0x1d6: {  	_ = 	snop  }
0x1d7: {  	[tilespmem:s14], [sflag:$0x3] =	stream.indirect_vreg.gather [hbm4b:s1+s3], $0x80, v3, vm0, $0xb8;
	[tilespmem:$0x1E280] =	vst v63  }
0x1d8: {  	_ = 	snop  }
0x1d9: {  	[tilespmem:s15], [sflag:$0x3] =	stream.indirect_vreg.gather [hbm4b:s5+s3], $0x80, v3, vm0, $0xb8;
	[tilespmem:$0x1E280] =	vst v63  }
0x1da: {  	v3 =	vld [tilespmem:$0x1C0];
	_ =	sdelay $0x4  }
0x1db: {  	v52 =	vshll.u32 v3, $0x2  }
0x1dc: {  	v3 =	vand.u32 $0x7, v3;
	v4 =	vand.u32 $0xFFFFFFE0, v52  }
0x1dd: {  	v3 =	vor.u32 v3, v4  }
0x1de: {  	v4 =	vperm.xlane v3, v0;
	_ =	sdelay $0x1  }
0x1df: {  	v4 =	vadd.s32 v1, v4;
	_ =	sdelay $0x1  }
0x1e0: {  	v3 =	vperm.xlane v3, v2;
	_ =	sdelay $0x1  }
0x1e1: {  	v3 =	vadd.s32 v1, v3  }
0x1e2: {  	[tilespmem:s16], [sflag:$0x3] =	stream.indirect_vreg.gather [hbm4b:s1+s3], $0x80, v4, vm0, $0xb8;
	[tilespmem:$0x1E280] =	vst v63  }
0x1e3: {  	_ = 	snop  }
0x1e4: {  	[tilespmem:s17], [sflag:$0x3] =	stream.indirect_vreg.gather [hbm4b:s5+s3], $0x80, v4, vm0, $0xb8;
	[tilespmem:$0x1E280] =	vst v63  }
0x1e5: {  	_ = 	snop  }
0x1e6: {  	[tilespmem:s18], [sflag:$0x3] =	stream.indirect_vreg.gather [hbm4b:s1+s3], $0x80, v3, vm0, $0xb8;
	[tilespmem:$0x1E280] =	vst v63  }
0x1e7: {  	_ = 	snop  }
0x1e8: {  	[tilespmem:s19], [sflag:$0x3] =	stream.indirect_vreg.gather [hbm4b:s5+s3], $0x80, v3, vm0, $0xb8;
	[tilespmem:$0x1E280] =	vst v63  }
0x1e9: {  	v3 =	vld [tilespmem:$0x1D0];
	_ =	sdelay $0x4  }
0x1ea: {  	v53 =	vshll.u32 v3, $0x2  }
0x1eb: {  	v3 =	vand.u32 $0x7, v3;
	v4 =	vand.u32 $0xFFFFFFE0, v53  }
0x1ec: {  	v3 =	vor.u32 v3, v4  }
0x1ed: {  	v4 =	vperm.xlane v3, v0;
	_ =	sdelay $0x1  }
0x1ee: {  	v4 =	vadd.s32 v1, v4;
	_ =	sdelay $0x1  }
0x1ef: {  	v3 =	vperm.xlane v3, v2;
	_ =	sdelay $0x1  }
0x1f0: {  	v3 =	vadd.s32 v1, v3  }
0x1f1: {  	[tilespmem:s20], [sflag:$0x3] =	stream.indirect_vreg.gather [hbm4b:s1+s3], $0x80, v4, vm0, $0xb8;
	[tilespmem:$0x1E280] =	vst v63  }
0x1f2: {  	_ = 	snop  }
0x1f3: {  	[tilespmem:s21], [sflag:$0x3] =	stream.indirect_vreg.gather [hbm4b:s5+s3], $0x80, v4, vm0, $0xb8;
	[tilespmem:$0x1E280] =	vst v63  }
0x1f4: {  	_ = 	snop  }
0x1f5: {  	[tilespmem:s23], [sflag:$0x3] =	stream.indirect_vreg.gather [hbm4b:s1+s3], $0x80, v3, vm0, $0xb8;
	[tilespmem:$0x1E280] =	vst v63  }
0x1f6: {  	_ = 	snop  }
0x1f7: {  	[tilespmem:s30], [sflag:$0x3] =	stream.indirect_vreg.gather [hbm4b:s5+s3], $0x80, v3, vm0, $0xb8;
	[tilespmem:$0x1E280] =	vst v63  }
0x1f8: {  	_ =	swait.ge [sflag:s24], $0xA000  }
0x1f9: {  	[sflag:s24] =	ssyncset.done $0x0  }
0x1fa: {  	s7 =	rddreg [dreg:$0x8];
	[sflag:s24] =	ssyncadd.s32 $0xFFFF6000  }
0x1fb: {  	[hbm4b:s7+s3] =	stream.linear.scatter [tilespmem:s26], [sflag:$0x5], $0xA000, $0x38;
	[tilespmem:$0x1E280] =	vst v63  }
0x1fc: {  	_ =	swait.ge [sflag:s25], $0xA000  }
0x1fd: {  	[sflag:s25] =	ssyncset.done $0x0  }
0x1fe: {  	[sflag:s25] =	ssyncadd.s32 $0xFFFF6000  }
0x1ff: {  	v3 =	vld [tilespmem:$0x1E0];
	_ =	sdelay $0x4  }
0x200: {  	v54 =	vshll.u32 v3, $0x2  }
0x201: {  	v3 =	vand.u32 $0x7, v3;
	v4 =	vand.u32 $0xFFFFFFE0, v54  }
0x202: {  	v3 =	vor.u32 v3, v4  }
0x203: {  	v4 =	vperm.xlane v3, v0;
	_ =	sdelay $0x1  }
0x204: {  	v4 =	vadd.s32 v1, v4;
	_ =	sdelay $0x1  }
0x205: {  	v3 =	vperm.xlane v3, v2;
	_ =	sdelay $0x1  }
0x206: {  	v3 =	vadd.s32 v1, v3  }
0x207: {  	[tilespmem:s4], [sflag:$0x1] =	stream.indirect_vreg.gather [hbm4b:s1+s3], $0x80, v4, vm0, $0xb8;
	[tilespmem:$0x1E280] =	vst v63  }
0x208: {  	s31 =	simm.s32 $0xA80  }
0x209: {  	[tilespmem:s31], [sflag:$0x1] =	stream.indirect_vreg.gather [hbm4b:s5+s3], $0x80, v4, vm0, $0xb8;
	[tilespmem:$0x1E280] =	vst v63  }
0x20a: {  	s31 =	simm.s32 $0x1280  }
0x20b: {  	[tilespmem:s31], [sflag:$0x1] =	stream.indirect_vreg.gather [hbm4b:s1+s3], $0x80, v3, vm0, $0xb8;
	[tilespmem:$0x1E280] =	vst v63  }
0x20c: {  	s31 =	simm.s32 $0x1A80  }
0x20d: {  	[tilespmem:s31], [sflag:$0x1] =	stream.indirect_vreg.gather [hbm4b:s5+s3], $0x80, v3, vm0, $0xb8;
	[tilespmem:$0x1E280] =	vst v63  }
0x20e: {  	v3 =	vld [tilespmem:$0x1F0];
	_ =	sdelay $0x4  }
0x20f: {  	v55 =	vshll.u32 v3, $0x2  }
0x210: {  	v3 =	vand.u32 $0x7, v3;
	v4 =	vand.u32 $0xFFFFFFE0, v55  }
0x211: {  	v3 =	vor.u32 v3, v4  }
0x212: {  	v4 =	vperm.xlane v3, v0;
	_ =	sdelay $0x1  }
0x213: {  	v4 =	vadd.s32 v1, v4;
	_ =	sdelay $0x1  }
0x214: {  	v3 =	vperm.xlane v3, v2;
	_ =	sdelay $0x1  }
0x215: {  	s31 =	simm.s32 $0x2280;
	v3 =	vadd.s32 v1, v3  }
0x216: {  	[tilespmem:s31], [sflag:$0x1] =	stream.indirect_vreg.gather [hbm4b:s1+s3], $0x80, v4, vm0, $0xb8;
	[tilespmem:$0x1E280] =	vst v63  }
0x217: {  	s31 =	simm.s32 $0x2A80  }
0x218: {  	[tilespmem:s31], [sflag:$0x1] =	stream.indirect_vreg.gather [hbm4b:s5+s3], $0x80, v4, vm0, $0xb8;
	[tilespmem:$0x1E280] =	vst v63  }
0x219: {  	s31 =	simm.s32 $0x3280  }
0x21a: {  	[tilespmem:s31], [sflag:$0x1] =	stream.indirect_vreg.gather [hbm4b:s1+s3], $0x80, v3, vm0, $0xb8;
	[tilespmem:$0x1E280] =	vst v63  }
0x21b: {  	s31 =	simm.s32 $0x3A80  }
0x21c: {  	[tilespmem:s31], [sflag:$0x1] =	stream.indirect_vreg.gather [hbm4b:s5+s3], $0x80, v3, vm0, $0xb8;
	[tilespmem:$0x1E280] =	vst v63  }
0x21d: {  	v3 =	vld [tilespmem:$0x200];
	_ =	sdelay $0x4  }
0x21e: {  	v56 =	vshll.u32 v3, $0x2  }
0x21f: {  	v3 =	vand.u32 $0x7, v3;
	v4 =	vand.u32 $0xFFFFFFE0, v56  }
0x220: {  	v3 =	vor.u32 v3, v4  }
0x221: {  	v4 =	vperm.xlane v3, v0;
	_ =	sdelay $0x1  }
0x222: {  	v4 =	vadd.s32 v1, v4;
	_ =	sdelay $0x1  }
0x223: {  	v3 =	vperm.xlane v3, v2;
	_ =	sdelay $0x1  }
0x224: {  	s31 =	simm.s32 $0x4280;
	v3 =	vadd.s32 v1, v3  }
0x225: {  	[tilespmem:s31], [sflag:$0x1] =	stream.indirect_vreg.gather [hbm4b:s1+s3], $0x80, v4, vm0, $0xb8;
	[tilespmem:$0x1E280] =	vst v63  }
0x226: {  	s31 =	simm.s32 $0x4A80  }
0x227: {  	[tilespmem:s31], [sflag:$0x1] =	stream.indirect_vreg.gather [hbm4b:s5+s3], $0x80, v4, vm0, $0xb8;
	[tilespmem:$0x1E280] =	vst v63  }
0x228: {  	s31 =	simm.s32 $0x5280  }
0x229: {  	[tilespmem:s31], [sflag:$0x1] =	stream.indirect_vreg.gather [hbm4b:s1+s3], $0x80, v3, vm0, $0xb8;
	[tilespmem:$0x1E280] =	vst v63  }
0x22a: {  	s31 =	simm.s32 $0x5A80  }
0x22b: {  	[tilespmem:s31], [sflag:$0x1] =	stream.indirect_vreg.gather [hbm4b:s5+s3], $0x80, v3, vm0, $0xb8;
	[tilespmem:$0x1E280] =	vst v63  }
0x22c: {  	v3 =	vld [tilespmem:$0x210];
	_ =	sdelay $0x4  }
0x22d: {  	v57 =	vshll.u32 v3, $0x2  }
0x22e: {  	v3 =	vand.u32 $0x7, v3;
	v4 =	vand.u32 $0xFFFFFFE0, v57  }
0x22f: {  	v3 =	vor.u32 v3, v4  }
0x230: {  	v4 =	vperm.xlane v3, v0;
	_ =	sdelay $0x1  }
0x231: {  	v4 =	vadd.s32 v1, v4;
	_ =	sdelay $0x1  }
0x232: {  	v3 =	vperm.xlane v3, v2;
	_ =	sdelay $0x1  }
0x233: {  	s31 =	simm.s32 $0x6280;
	v3 =	vadd.s32 v1, v3  }
0x234: {  	[tilespmem:s31], [sflag:$0x1] =	stream.indirect_vreg.gather [hbm4b:s1+s3], $0x80, v4, vm0, $0xb8;
	[tilespmem:$0x1E280] =	vst v63  }
0x235: {  	s31 =	simm.s32 $0x6A80  }
0x236: {  	[tilespmem:s31], [sflag:$0x1] =	stream.indirect_vreg.gather [hbm4b:s5+s3], $0x80, v4, vm0, $0xb8;
	[tilespmem:$0x1E280] =	vst v63  }
0x237: {  	s31 =	simm.s32 $0x7280  }
0x238: {  	[tilespmem:s31], [sflag:$0x1] =	stream.indirect_vreg.gather [hbm4b:s1+s3], $0x80, v3, vm0, $0xb8;
	[tilespmem:$0x1E280] =	vst v63  }
0x239: {  	s31 =	simm.s32 $0x7A80  }
0x23a: {  	[tilespmem:s31], [sflag:$0x1] =	stream.indirect_vreg.gather [hbm4b:s5+s3], $0x80, v3, vm0, $0xb8;
	[tilespmem:$0x1E280] =	vst v63  }
0x23b: {  	v3 =	vld [tilespmem:$0x220];
	_ =	sdelay $0x4  }
0x23c: {  	v58 =	vshll.u32 v3, $0x2  }
0x23d: {  	v3 =	vand.u32 $0x7, v3;
	v4 =	vand.u32 $0xFFFFFFE0, v58  }
0x23e: {  	v3 =	vor.u32 v3, v4  }
0x23f: {  	v4 =	vperm.xlane v3, v0;
	_ =	sdelay $0x1  }
0x240: {  	v4 =	vadd.s32 v1, v4;
	_ =	sdelay $0x1  }
0x241: {  	v3 =	vperm.xlane v3, v2;
	_ =	sdelay $0x1  }
0x242: {  	s31 =	simm.s32 $0x8280;
	v3 =	vadd.s32 v1, v3  }
0x243: {  	[tilespmem:s31], [sflag:$0x1] =	stream.indirect_vreg.gather [hbm4b:s1+s3], $0x80, v4, vm0, $0xb8;
	[tilespmem:$0x1E280] =	vst v63  }
0x244: {  	s31 =	simm.s32 $0x8A80  }
0x245: {  	[tilespmem:s31], [sflag:$0x1] =	stream.indirect_vreg.gather [hbm4b:s5+s3], $0x80, v4, vm0, $0xb8;
	[tilespmem:$0x1E280] =	vst v63  }
0x246: {  	s31 =	simm.s32 $0x9280  }
0x247: {  	[tilespmem:s31], [sflag:$0x1] =	stream.indirect_vreg.gather [hbm4b:s1+s3], $0x80, v3, vm0, $0xb8;
	[tilespmem:$0x1E280] =	vst v63  }
0x248: {  	s31 =	simm.s32 $0x9A80  }
0x249: {  	[tilespmem:s31], [sflag:$0x1] =	stream.indirect_vreg.gather [hbm4b:s5+s3], $0x80, v3, vm0, $0xb8;
	[tilespmem:$0x1E280] =	vst v63  }
0x24a: {  	_ =	swait.ge [sflag:s0], $0xA000  }
0x24b: {  	[sflag:s0] =	ssyncset.done $0x0  }
0x24c: {  	s7 =	rddreg [dreg:$0x9];
	[sflag:s0] =	ssyncadd.s32 $0xFFFF6000  }
0x24d: {  	[hbm4b:s7+s3] =	stream.linear.scatter [tilespmem:s29], [sflag:$0x6], $0xA000, $0x38;
	[tilespmem:$0x1E280] =	vst v63  }
0x24e: {  	_ =	swait.ge [sflag:s28], $0xA000  }
0x24f: {  	[sflag:s28] =	ssyncset.done $0x0  }
0x250: {  	[sflag:s28] =	ssyncadd.s32 $0xFFFF6000  }
0x251: {  	v3 =	vld [tilespmem:$0x230];
	_ =	sdelay $0x4  }
0x252: {  	v59 =	vshll.u32 v3, $0x2  }
0x253: {  	v3 =	vand.u32 $0x7, v3;
	v4 =	vand.u32 $0xFFFFFFE0, v59  }
0x254: {  	v3 =	vor.u32 v3, v4  }
0x255: {  	v4 =	vperm.xlane v3, v0;
	_ =	sdelay $0x1  }
0x256: {  	v4 =	vadd.s32 v1, v4;
	_ =	sdelay $0x1  }
0x257: {  	v3 =	vperm.xlane v3, v2;
	_ =	sdelay $0x1  }
0x258: {  	v3 =	vadd.s32 v1, v3  }
0x259: {  	[tilespmem:s26], [sflag:$0x2] =	stream.indirect_vreg.gather [hbm4b:s1+s3], $0x80, v4, vm0, $0xb8;
	[tilespmem:$0x1E280] =	vst v63  }
0x25a: {  	s31 =	simm.s32 $0xAA80  }
0x25b: {  	[tilespmem:s31], [sflag:$0x2] =	stream.indirect_vreg.gather [hbm4b:s5+s3], $0x80, v4, vm0, $0xb8;
	[tilespmem:$0x1E280] =	vst v63  }
0x25c: {  	s7 =	simm.s32 $0xB280  }
0x25d: {  	[tilespmem:s7], [sflag:$0x2] =	stream.indirect_vreg.gather [hbm4b:s1+s3], $0x80, v3, vm0, $0xb8;
	[tilespmem:$0x1E280] =	vst v63  }
0x25e: {  	s31 =	simm.s32 $0xBA80  }
0x25f: {  	[tilespmem:s31], [sflag:$0x2] =	stream.indirect_vreg.gather [hbm4b:s5+s3], $0x80, v3, vm0, $0xb8;
	[tilespmem:$0x1E280] =	vst v63  }
0x260: {  	v3 =	vld [tilespmem:$0x240];
	_ =	sdelay $0x4  }
0x261: {  	v60 =	vshll.u32 v3, $0x2  }
0x262: {  	v3 =	vand.u32 $0x7, v3;
	v4 =	vand.u32 $0xFFFFFFE0, v60  }
0x263: {  	v3 =	vor.u32 v3, v4  }
0x264: {  	v4 =	vperm.xlane v3, v0;
	_ =	sdelay $0x1  }
0x265: {  	v4 =	vadd.s32 v1, v4;
	_ =	sdelay $0x1  }
0x266: {  	v3 =	vperm.xlane v3, v2;
	_ =	sdelay $0x1  }
0x267: {  	s7 =	simm.s32 $0xC280;
	v3 =	vadd.s32 v1, v3  }
0x268: {  	[tilespmem:s7], [sflag:$0x2] =	stream.indirect_vreg.gather [hbm4b:s1+s3], $0x80, v4, vm0, $0xb8;
	[tilespmem:$0x1E280] =	vst v63  }
0x269: {  	s31 =	simm.s32 $0xCA80  }
0x26a: {  	[tilespmem:s31], [sflag:$0x2] =	stream.indirect_vreg.gather [hbm4b:s5+s3], $0x80, v4, vm0, $0xb8;
	[tilespmem:$0x1E280] =	vst v63  }
0x26b: {  	s7 =	simm.s32 $0xD280  }
0x26c: {  	[tilespmem:s7], [sflag:$0x2] =	stream.indirect_vreg.gather [hbm4b:s1+s3], $0x80, v3, vm0, $0xb8;
	[tilespmem:$0x1E280] =	vst v63  }
0x26d: {  	s31 =	simm.s32 $0xDA80  }
0x26e: {  	[tilespmem:s31], [sflag:$0x2] =	stream.indirect_vreg.gather [hbm4b:s5+s3], $0x80, v3, vm0, $0xb8;
	[tilespmem:$0x1E280] =	vst v63  }
0x26f: {  	v3 =	vld [tilespmem:$0x250];
	_ =	sdelay $0x4  }
0x270: {  	v61 =	vshll.u32 v3, $0x2  }
0x271: {  	v3 =	vand.u32 $0x7, v3;
	v4 =	vand.u32 $0xFFFFFFE0, v61  }
0x272: {  	v3 =	vor.u32 v3, v4  }
0x273: {  	v4 =	vperm.xlane v3, v0;
	_ =	sdelay $0x1  }
0x274: {  	v4 =	vadd.s32 v1, v4;
	_ =	sdelay $0x1  }
0x275: {  	v3 =	vperm.xlane v3, v2;
	_ =	sdelay $0x1  }
0x276: {  	s7 =	simm.s32 $0xE280;
	v3 =	vadd.s32 v1, v3  }
0x277: {  	[tilespmem:s7], [sflag:$0x2] =	stream.indirect_vreg.gather [hbm4b:s1+s3], $0x80, v4, vm0, $0xb8;
	[tilespmem:$0x1E280] =	vst v63  }
0x278: {  	s31 =	simm.s32 $0xEA80  }
0x279: {  	[tilespmem:s31], [sflag:$0x2] =	stream.indirect_vreg.gather [hbm4b:s5+s3], $0x80, v4, vm0, $0xb8;
	[tilespmem:$0x1E280] =	vst v63  }
0x27a: {  	s7 =	simm.s32 $0xF280  }
0x27b: {  	[tilespmem:s7], [sflag:$0x2] =	stream.indirect_vreg.gather [hbm4b:s1+s3], $0x80, v3, vm0, $0xb8;
	[tilespmem:$0x1E280] =	vst v63  }
0x27c: {  	s31 =	simm.s32 $0xFA80  }
0x27d: {  	[tilespmem:s31], [sflag:$0x2] =	stream.indirect_vreg.gather [hbm4b:s5+s3], $0x80, v3, vm0, $0xb8;
	[tilespmem:$0x1E280] =	vst v63  }
0x27e: {  	v3 =	vld [tilespmem:$0x260];
	_ =	sdelay $0x4  }
0x27f: {  	v62 =	vshll.u32 v3, $0x2  }
0x280: {  	v3 =	vand.u32 $0x7, v3;
	v4 =	vand.u32 $0xFFFFFFE0, v62  }
0x281: {  	v3 =	vor.u32 v3, v4  }
0x282: {  	v4 =	vperm.xlane v3, v0;
	_ =	sdelay $0x1  }
0x283: {  	v4 =	vadd.s32 v1, v4;
	_ =	sdelay $0x1  }
0x284: {  	v3 =	vperm.xlane v3, v2;
	_ =	sdelay $0x1  }
0x285: {  	s7 =	simm.s32 $0x10280;
	v3 =	vadd.s32 v1, v3  }
0x286: {  	[tilespmem:s7], [sflag:$0x2] =	stream.indirect_vreg.gather [hbm4b:s1+s3], $0x80, v4, vm0, $0xb8;
	[tilespmem:$0x1E280] =	vst v63  }
0x287: {  	s31 =	simm.s32 $0x10A80  }
0x288: {  	[tilespmem:s31], [sflag:$0x2] =	stream.indirect_vreg.gather [hbm4b:s5+s3], $0x80, v4, vm0, $0xb8;
	[tilespmem:$0x1E280] =	vst v63  }
0x289: {  	s7 =	simm.s32 $0x11280  }
0x28a: {  	[tilespmem:s7], [sflag:$0x2] =	stream.indirect_vreg.gather [hbm4b:s1+s3], $0x80, v3, vm0, $0xb8;
	[tilespmem:$0x1E280] =	vst v63  }
0x28b: {  	s31 =	simm.s32 $0x11A80  }
0x28c: {  	[tilespmem:s31], [sflag:$0x2] =	stream.indirect_vreg.gather [hbm4b:s5+s3], $0x80, v3, vm0, $0xb8;
	[tilespmem:$0x1E280] =	vst v63  }
0x28d: {  	v3 =	vld [tilespmem:$0x270];
	_ =	sdelay $0x4  }
0x28e: {  	v63 =	vshll.u32 v3, $0x2  }
0x28f: {  	v3 =	vand.u32 $0x7, v3;
	v4 =	vand.u32 $0xFFFFFFE0, v63  }
0x290: {  	v3 =	vor.u32 v3, v4  }
0x291: {  	v4 =	vperm.xlane v3, v0;
	_ =	sdelay $0x1  }
0x292: {  	v4 =	vadd.s32 v1, v4;
	_ =	sdelay $0x1  }
0x293: {  	v3 =	vperm.xlane v3, v2;
	_ =	sdelay $0x1  }
0x294: {  	s7 =	simm.s32 $0x12280;
	v3 =	vadd.s32 v1, v3  }
0x295: {  	[tilespmem:s7], [sflag:$0x2] =	stream.indirect_vreg.gather [hbm4b:s1+s3], $0x80, v4, vm0, $0xb8;
	[tilespmem:$0x1E280] =	vst v63  }
0x296: {  	s31 =	simm.s32 $0x12A80  }
0x297: {  	[tilespmem:s31], [sflag:$0x2] =	stream.indirect_vreg.gather [hbm4b:s5+s3], $0x80, v4, vm0, $0xb8;
	[tilespmem:$0x1E280] =	vst v63  }
0x298: {  	s7 =	simm.s32 $0x13280  }
0x299: {  	[tilespmem:s7], [sflag:$0x2] =	stream.indirect_vreg.gather [hbm4b:s1+s3], $0x80, v3, vm0, $0xb8;
	[tilespmem:$0x1E280] =	vst v63  }
0x29a: {  	s31 =	simm.s32 $0x13A80  }
0x29b: {  	[tilespmem:s31], [sflag:$0x2] =	stream.indirect_vreg.gather [hbm4b:s5+s3], $0x80, v3, vm0, $0xb8;
	[tilespmem:$0x1E280] =	vst v63  }
0x29c: {  	_ =	swait.ge [sflag:s22], $0xA000  }
0x29d: {  	[sflag:s22] =	ssyncset.done $0x0  }
0x29e: {  	s4 =	simm.s32 $0x280;
	s0 =	rddreg [dreg:$0xa];
	[sflag:s22] =	ssyncadd.s32 $0xFFFF6000  }
0x29f: {  	[hbm4b:s0+s3] =	stream.linear.scatter [tilespmem:s4], [sflag:$0x4], $0xA000, $0x38;
	[tilespmem:$0x1E280] =	vst v63  }
0x2a0: {  	_ =	swait.ge [sflag:s24], $0xA000  }
0x2a1: {  	[sflag:s24] =	ssyncset.done $0x0  }
0x2a2: {  	s7 =	rddreg [dreg:$0xb];
	[sflag:s24] =	ssyncadd.s32 $0xFFFF6000  }
0x2a3: {  	[hbm4b:s7+s3] =	stream.linear.scatter [tilespmem:s26], [sflag:$0x5], $0xA000, $0x38;
	[tilespmem:$0x1E280] =	vst v63  }
0x2a4: {  	_ =	swait.ge [sflag:s25], $0xA000  }
0x2a5: {  	[sflag:s25] =	ssyncset.done $0x0  }
0x2a6: {  	[sflag:s25] =	ssyncadd.s32 $0xFFFF6000  }
0x2a7: {  	p0 =	sne.s32 s6, $0x1;
	_ =	swait.ge [sflag:s28], $0xA000  }
.Ltmp0:
0x2a8: {  	[sflag:s28] =	ssyncset.done $0x0;
	(pc) =	sbr.rel @p0 .LBB2_1-.Ltmp0, $4  }
0x2a9: {  	[sflag:s28] =	ssyncadd.s32 $0xFFFF6000  }
0x2aa: {  	_ =	swait.ge [sflag:s2], $0xA000  }
0x2ab: {  	[sflag:s2] =	ssyncset.done $0x0  }
0x2ac: {  	s6 =	sadd.s32 $0xFFFFFFFF, s6;
	[sflag:s2] =	ssyncadd.s32 $0xFFFF6000  }
0x2ad: {  	_ =	sfence.sel $0x180000  }
0x2ae: {  	[bflag:$0x0] =	sbarrier.arrive $0xFFFF  }
0x2af: {  	_ =	strace $0x90000047  }
0x2b0: {  	s0 =	stileid.u32;
	[bflag:$0x2] =	sbarrier.arrive $0xFFFF  }
0x2b1: {  	p0 =	sne.s32 s0, $0x0;
	s0 =	rddreg [dreg:$0x3]  }
0x2b2: {  	s0 =	sadd.s32 @!p0 $0x100000, s0  }
0x2b3: {  	[sflag:s0] =	ssyncadd.tile.s32 @!p0 $0x1;
	_ =	shalt  }
.Lfunc_end2:
_tile_overlayer_lowered:
.L_overlay_start_2:
0x2b4: {  	(tag) =	ssettag $0x2  }
0x2b5: {  	s0 =	rddreg [dreg:$0x0];
	s2 =	stileid.u32  }
0x2b6: {  	s1 =	rddreg [dreg:$0x1];
	p0 =	sne.s32 s2, $0x0  }
0x2b7: {  	s3 =	rddreg [dreg:$0x2];
	[bflag:$0x3] =	sbarrier.arrive $0xFFFF;
	s2 =	simm.s32 @!p0 $0x1C07  }
0x2b8: {  	[timem:s3], [sflag:s2] =	dma.local @!p0 [hbm:s0], s1  }
0x2b9: {  	s0 =	simm.s32 @!p0 $0x7  }
0x2ba: {  	_ =	swait.ge @!p0 [sflag:s0], s1  }
0x2bb: {  	s1 =	ssub.s32 @!p0 $0x0, s1;
	[sflag:s0] =	ssyncset.done @!p0 $0x0  }
0x2bc: {  	[sflag:s0] =	ssyncadd.s32 @!p0 s1  }
0x2bd: {  	[bflag:$0x3] =	sbarrier.arrive $0xFFFF  }
0x2be: {  	_ =	shalt  }

</sc_bundles>
